<compile_context>
chip_gen: v7x
topology: tpu7x:2x2x1
jax: 0.10.2.dev20260603
libtpu: 0.0.44.dev20260713+nightly
codegen_flags: <defaults>
</compile_context>

<pallas_src>
import jax
import jax.numpy as jnp
from jax import lax
from jax.experimental import pallas as pl
from jax.experimental.pallas import tpu as pltpu
from jax.experimental.pallas import tpu_sc as plsc

N_NODES = 10000
N_EDGES = 320000
D = 128

_NC = 2
_NS = 16
_NW = _NC * _NS
_EPW = N_EDGES // _NW
_K = 80
_CHUNKS = _EPW // _K
_NB = 2
_NSLOT = 2 * _NB
_PAIRS = _CHUNKS // _NSLOT
_RCHUNKS = N_NODES // _K


def _sc_body(x_hbm, src_hbm, dst_hbm, out_hbm, *refs):
    isrc = refs[:_NSLOT]
    idst = refs[_NSLOT:2 * _NSLOT]
    rows = refs[2 * _NSLOT:3 * _NSLOT]
    acc = refs[3 * _NSLOT]
    sem_i = refs[1 + 3 * _NSLOT:1 + 4 * _NSLOT]
    sem_g = refs[1 + 4 * _NSLOT:1 + 5 * _NSLOT]
    sem_s = refs[1 + 5 * _NSLOT:1 + 6 * _NSLOT]
    c = lax.axis_index("c")
    s = lax.axis_index("s")
    rows0 = rows[0]

    zero = jnp.zeros((16,), jnp.float32)

    def _zfill(i, carry):
        for j in range(D // 16):
            rows0[i, pl.ds(j * 16, 16)] = zero
        return carry

    lax.fori_loop(0, _K, _zfill, 0)
    for k in range((_RCHUNKS + _NS - 1) // _NS):
        cid = k * _NS + s

        @pl.when(cid < _RCHUNKS)
        def _():
            off = pl.multiple_of(cid * _K, 8)
            pltpu.sync_copy(rows0, acc.at[pl.ds(off, _K)])

    plsc.subcore_barrier()

    ebase = (c * _NS + s) * _EPW

    def _fire_idx(slot, chunk):
        off = ebase + chunk * _K
        pltpu.async_copy(src_hbm.at[pl.ds(off, _K)], isrc[slot], sem_i[slot])
        pltpu.async_copy(dst_hbm.at[pl.ds(off, _K)], idst[slot], sem_i[slot])

    def _fire_gather(slot, chunk):
        off = ebase + chunk * _K
        pltpu.make_async_copy(src_hbm.at[pl.ds(off, _K)], isrc[slot],
                              sem_i[slot]).wait()
        pltpu.async_copy(x_hbm.at[isrc[slot]], rows[slot], sem_g[slot])

    def _wait_and_scatter(slot, chunk):
        off = ebase + chunk * _K
        pltpu.make_async_copy(x_hbm.at[isrc[slot]], rows[slot],
                              sem_g[slot]).wait()
        pltpu.make_async_copy(dst_hbm.at[pl.ds(off, _K)], idst[slot],
                              sem_i[slot]).wait()
        pltpu.async_copy(rows[slot], acc.at[idst[slot]], sem_s[slot], add=True)

    def _wait_scatter(slot):
        pltpu.make_async_copy(rows[slot], acc.at[idst[slot]],
                              sem_s[slot]).wait()

    for b in range(_NSLOT):
        _fire_idx(b, b)
    for b in range(_NSLOT):
        _fire_gather(b, b)

    def _round(t, carry):
        base = t * _NSLOT
        nxt = base + _NSLOT
        for b in range(_NB):
            _wait_and_scatter(b, base + b)
        for b in range(_NB, _NSLOT):
            _wait_and_scatter(b, base + b)
        for b in range(_NB):
            _wait_scatter(b)
            _fire_idx(b, nxt + b)
        for b in range(_NB):
            _fire_gather(b, nxt + b)
        for b in range(_NB, _NSLOT):
            _wait_scatter(b)
            _fire_idx(b, nxt + b)
        for b in range(_NB, _NSLOT):
            _fire_gather(b, nxt + b)
        return carry

    lax.fori_loop(0, _PAIRS - 1, _round, 0)

    last = (_PAIRS - 1) * _NSLOT
    for b in range(_NSLOT):
        _wait_and_scatter(b, last + b)
    _wait_scatter(0)
    _fire_idx(0, last + _NSLOT)
    _fire_gather(0, last + _NSLOT)
    _wait_and_scatter(0, last + _NSLOT)
    for b in range(1, _NSLOT):
        _wait_scatter(b)
    _wait_scatter(0)
    plsc.subcore_barrier()

    for k in range((_RCHUNKS + _NS - 1) // _NS):
        cid = k * _NS + s

        @pl.when(cid < _RCHUNKS)
        def _():
            off = pl.multiple_of(cid * _K, 8)
            pltpu.sync_copy(acc.at[pl.ds(off, _K)], out_hbm.at[c, pl.ds(off, _K)])


def _sc_aggregate(x, src, dst):
    mesh = plsc.VectorSubcoreMesh(core_axis_name="c", subcore_axis_name="s")
    return pl.kernel(
        _sc_body,
        out_type=jax.ShapeDtypeStruct((_NC, N_NODES, D), jnp.float32),
        mesh=mesh,
        scratch_types=(
            [pltpu.VMEM((_K,), jnp.int32) for _ in range(2 * _NSLOT)]
            + [pltpu.VMEM((_K, D), jnp.float32) for _ in range(_NSLOT)]
            + [pltpu.VMEM_SHARED((N_NODES, D), jnp.float32)]
            + [pltpu.SemaphoreType.DMA for _ in range(3 * _NSLOT)]
        ),
    )(x, src, dst)


def _mm1_body(x_ref, w1_ref, b_ref, o_ref):
    o_ref[...] = (
        jnp.dot(x_ref[...], w1_ref[...], preferred_element_type=jnp.float32)
        + b_ref[...]
    )


def _mm1(x, w1t, b2d):
    blk = 1000
    return pl.pallas_call(
        _mm1_body,
        grid=(N_NODES // blk,),
        in_specs=[
            pl.BlockSpec((blk, D), lambda i: (i, 0)),
            pl.BlockSpec((D, D), lambda i: (0, 0)),
            pl.BlockSpec((1, D), lambda i: (0, 0)),
        ],
        out_specs=pl.BlockSpec((blk, D), lambda i: (i, 0)),
        out_shape=jax.ShapeDtypeStruct((N_NODES, D), jnp.float32),
    )(x, w1t, b2d)


def _mm2_body(m_ref, p_ref, w2_ref, o_ref):
    ng = p_ref[0] + p_ref[1]
    o_ref[...] = m_ref[...] + jnp.dot(ng, w2_ref[...],
                                      preferred_element_type=jnp.float32)


def _mm2(m1, partials, w2t):
    blk = 1000
    return pl.pallas_call(
        _mm2_body,
        grid=(N_NODES // blk,),
        in_specs=[
            pl.BlockSpec((blk, D), lambda i: (i, 0)),
            pl.BlockSpec((_NC, blk, D), lambda i: (0, i, 0)),
            pl.BlockSpec((D, D), lambda i: (0, 0)),
        ],
        out_specs=pl.BlockSpec((blk, D), lambda i: (i, 0)),
        out_shape=jax.ShapeDtypeStruct((N_NODES, D), jnp.float32),
    )(m1, partials, w2t)


@jax.jit
def kernel(x, edge_index, W, b):
    src = edge_index[0].astype(jnp.int32)
    dst = edge_index[1].astype(jnp.int32)
    partials = _sc_aggregate(x, src, dst)
    w1t = W[:, :D].T
    w2t = W[:, D:].T
    m1 = _mm1(x, w1t, b.reshape(1, D))
    return _mm2(m1, partials, w2t)

# --- scband reference (transcript-rebuilt; emitter-appended) ---
"""Pipeline reference for scband-dist-sage-conv-75582834475276 (READ-ONLY COPY).

The authoritative reference and input builder live on the scoring server;
editing this copy changes nothing except your own understanding.
"""

import jax, jax.numpy as jnp
import numpy as np

N_NODES = 10000
N_EDGES = 320000
IN_FEATS = 128
OUT_FEATS = 128


def setup_inputs(seed: int = 0) -> dict:
    key = jax.random.key(seed)
    k1, k2, k3, k4 = jax.random.split(key, 4)
    x = jax.random.normal(k1, (N_NODES, IN_FEATS), dtype=jnp.float32)
    edge_index = jax.random.randint(k2, (2, N_EDGES), 0, N_NODES, dtype=jnp.int64)
    # fc: Linear(in_feats*2, out_feats), xavier_uniform with relu gain
    fan_in, fan_out = IN_FEATS * 2, OUT_FEATS
    gain = float(np.sqrt(2.0))  # calculate_gain('relu')
    bound = gain * np.sqrt(6.0 / (fan_in + fan_out))
    W = jax.random.uniform(k3, (OUT_FEATS, IN_FEATS * 2), dtype=jnp.float32, minval=-bound, maxval=bound)
    b = jax.random.uniform(k4, (OUT_FEATS,), dtype=jnp.float32, minval=-1.0 / np.sqrt(fan_in), maxval=1.0 / np.sqrt(fan_in))
    return {"x": x, "edge_index": edge_index, "W": W, "b": b}


def reference(x, edge_index, W, b):
    # DistSageConv with aggregator_type='sum', single-shard equivalent of the
    # 4-GPU bipartite gather/pull/push pipeline:
    #   1) neighbor gather + sum-aggregate (gather + push/pull across shards)
    #   2) concat(self features, aggregated neighbor features)
    #   3) replicated Linear(2*in_feats -> out_feats)
    # Dropout (feat_drop) is identity in eval mode.
    src = edge_index[0]
    dst = edge_index[1]
    gathered = jnp.take(x, src, axis=0)                      # [E, d] gather
    ng = jax.ops.segment_sum(gathered, dst, num_segments=N_NODES)  # [N, d] scatter-add
    h = jnp.concatenate([x, ng], axis=1)                     # [N, 2d]
    out = h @ W.T + b                                        # [N, out_feats]
    return out

if __name__ == "__main__":
    import jax
    _d = setup_inputs()
    print(jax.jit(kernel)(*tuple(_d.values())))

</pallas_src>

<mosaic_0001>
#map = affine_map<(d0, d1) -> (0, 0)>
#map1 = affine_map<(d0, d1) -> (0)>
#map2 = affine_map<(d0, d1) -> (0, 0, 0)>
module attributes {stable_mosaic.version = 14 : i64} {
  func.func @_sc_body(%arg0: i32, %arg1: i32, %arg2: memref<10000x128xf32, #tpu.memory_space<hbm>>, %arg3: memref<320000xi32, #tpu.memory_space<hbm>>, %arg4: memref<320000xi32, #tpu.memory_space<hbm>>, %arg5: memref<2x10000x128xf32, #tpu.memory_space<hbm>>, %arg6: memref<80xi32, #tpu.memory_space<vmem>>, %arg7: memref<80xi32, #tpu.memory_space<vmem>>, %arg8: memref<80xi32, #tpu.memory_space<vmem>>, %arg9: memref<80xi32, #tpu.memory_space<vmem>>, %arg10: memref<80xi32, #tpu.memory_space<vmem>>, %arg11: memref<80xi32, #tpu.memory_space<vmem>>, %arg12: memref<80xi32, #tpu.memory_space<vmem>>, %arg13: memref<80xi32, #tpu.memory_space<vmem>>, %arg14: memref<80x128xf32, #tpu.memory_space<vmem>>, %arg15: memref<80x128xf32, #tpu.memory_space<vmem>>, %arg16: memref<80x128xf32, #tpu.memory_space<vmem>>, %arg17: memref<80x128xf32, #tpu.memory_space<vmem>>, %arg18: memref<10000x128xf32, #tpu.memory_space<vmem_shared>>, %arg19: memref<!tpu.dma_semaphore, #tpu.memory_space<semaphore_mem>>, %arg20: memref<!tpu.dma_semaphore, #tpu.memory_space<semaphore_mem>>, %arg21: memref<!tpu.dma_semaphore, #tpu.memory_space<semaphore_mem>>, %arg22: memref<!tpu.dma_semaphore, #tpu.memory_space<semaphore_mem>>, %arg23: memref<!tpu.dma_semaphore, #tpu.memory_space<semaphore_mem>>, %arg24: memref<!tpu.dma_semaphore, #tpu.memory_space<semaphore_mem>>, %arg25: memref<!tpu.dma_semaphore, #tpu.memory_space<semaphore_mem>>, %arg26: memref<!tpu.dma_semaphore, #tpu.memory_space<semaphore_mem>>, %arg27: memref<!tpu.dma_semaphore, #tpu.memory_space<semaphore_mem>>, %arg28: memref<!tpu.dma_semaphore, #tpu.memory_space<semaphore_mem>>, %arg29: memref<!tpu.dma_semaphore, #tpu.memory_space<semaphore_mem>>, %arg30: memref<!tpu.dma_semaphore, #tpu.memory_space<semaphore_mem>>) attributes {dimension_semantics = [#tpu.dimension_semantics<core_parallel>, #tpu.dimension_semantics<subcore_parallel>], iteration_bounds = array<i64: 2, 16>, scalar_prefetch = 0 : i64, scratch_operands = 25 : i64, tpu.core_type = #tpu.core_type<sc_vector_subcore>, window_params = [{transform_indices = #map}, {transform_indices = #map1}, {transform_indices = #map1}, {transform_indices = #map2}]} {
    %broadcast_in_dim3A = arith.constant 0.000000e+00 : f32
    %broadcast_in_dim3A_0 = vector.broadcast %broadcast_in_dim3A : f32 to vector<16xf32>
    %scan3A = arith.constant 0 : i32
    %scan3A_1 = arith.constant 0 : i32
    %scan3A_2 = arith.constant 80 : i32
    %scan3A_3 = arith.addi %scan3A_1, %scan3A_2 : i32
    %scan3A_4 = arith.constant 1 : i32
    scf.for %scan3A_253 = %scan3A_1 to %scan3A_3 step %scan3A_4  : i32 {
      %swap3A = arith.index_cast %scan3A_253 : i32 to index
      %swap3A_254 = arith.constant 0 : index
      %swap3A_255 = tpu.vector_load %arg14[%swap3A, %swap3A_254] {strides = array<i32>} : memref<80x128xf32, #tpu.memory_space<vmem>>, vector<1x16xf32>,
      %swap3A_256 = vector.shape_cast %swap3A_255 : vector<1x16xf32> to vector<16xf32>
      %swap3A_257 = vector.shape_cast %broadcast_in_dim3A_0 : vector<16xf32> to vector<1x16xf32>
      tpu.vector_store %arg14[%swap3A, %swap3A_254], %swap3A_257 {strides = array<i32>} : memref<80x128xf32, #tpu.memory_space<vmem>>, vector<1x16xf32>,
      %swap3A_258 = arith.index_cast %scan3A_253 : i32 to index
      %swap3A_259 = arith.constant 16 : index
      %swap3A_260 = tpu.vector_load %arg14[%swap3A_258, %swap3A_259] {strides = array<i32>} : memref<80x128xf32, #tpu.memory_space<vmem>>, vector<1x16xf32>,
      %swap3A_261 = vector.shape_cast %swap3A_260 : vector<1x16xf32> to vector<16xf32>
      %swap3A_262 = vector.shape_cast %broadcast_in_dim3A_0 : vector<16xf32> to vector<1x16xf32>
      tpu.vector_store %arg14[%swap3A_258, %swap3A_259], %swap3A_262 {strides = array<i32>} : memref<80x128xf32, #tpu.memory_space<vmem>>, vector<1x16xf32>,
      %swap3A_263 = arith.index_cast %scan3A_253 : i32 to index
      %swap3A_264 = arith.constant 32 : index
      %swap3A_265 = tpu.vector_load %arg14[%swap3A_263, %swap3A_264] {strides = array<i32>} : memref<80x128xf32, #tpu.memory_space<vmem>>, vector<1x16xf32>,
      %swap3A_266 = vector.shape_cast %swap3A_265 : vector<1x16xf32> to vector<16xf32>
      %swap3A_267 = vector.shape_cast %broadcast_in_dim3A_0 : vector<16xf32> to vector<1x16xf32>
      tpu.vector_store %arg14[%swap3A_263, %swap3A_264], %swap3A_267 {strides = array<i32>} : memref<80x128xf32, #tpu.memory_space<vmem>>, vector<1x16xf32>,
      %swap3A_268 = arith.index_cast %scan3A_253 : i32 to index
      %swap3A_269 = arith.constant 48 : index
      %swap3A_270 = tpu.vector_load %arg14[%swap3A_268, %swap3A_269] {strides = array<i32>} : memref<80x128xf32, #tpu.memory_space<vmem>>, vector<1x16xf32>,
      %swap3A_271 = vector.shape_cast %swap3A_270 : vector<1x16xf32> to vector<16xf32>
      %swap3A_272 = vector.shape_cast %broadcast_in_dim3A_0 : vector<16xf32> to vector<1x16xf32>
      tpu.vector_store %arg14[%swap3A_268, %swap3A_269], %swap3A_272 {strides = array<i32>} : memref<80x128xf32, #tpu.memory_space<vmem>>, vector<1x16xf32>,
      %swap3A_273 = arith.index_cast %scan3A_253 : i32 to index
      %swap3A_274 = arith.constant 64 : index
      %swap3A_275 = tpu.vector_load %arg14[%swap3A_273, %swap3A_274] {strides = array<i32>} : memref<80x128xf32, #tpu.memory_space<vmem>>, vector<1x16xf32>,
      %swap3A_276 = vector.shape_cast %swap3A_275 : vector<1x16xf32> to vector<16xf32>
      %swap3A_277 = vector.shape_cast %broadcast_in_dim3A_0 : vector<16xf32> to vector<1x16xf32>
      tpu.vector_store %arg14[%swap3A_273, %swap3A_274], %swap3A_277 {strides = array<i32>} : memref<80x128xf32, #tpu.memory_space<vmem>>, vector<1x16xf32>,
      %swap3A_278 = arith.index_cast %scan3A_253 : i32 to index
      %swap3A_279 = arith.constant 80 : index
      %swap3A_280 = tpu.vector_load %arg14[%swap3A_278, %swap3A_279] {strides = array<i32>} : memref<80x128xf32, #tpu.memory_space<vmem>>, vector<1x16xf32>,
      %swap3A_281 = vector.shape_cast %swap3A_280 : vector<1x16xf32> to vector<16xf32>
      %swap3A_282 = vector.shape_cast %broadcast_in_dim3A_0 : vector<16xf32> to vector<1x16xf32>
      tpu.vector_store %arg14[%swap3A_278, %swap3A_279], %swap3A_282 {strides = array<i32>} : memref<80x128xf32, #tpu.memory_space<vmem>>, vector<1x16xf32>,
      %swap3A_283 = arith.index_cast %scan3A_253 : i32 to index
      %swap3A_284 = arith.constant 96 : index
      %swap3A_285 = tpu.vector_load %arg14[%swap3A_283, %swap3A_284] {strides = array<i32>} : memref<80x128xf32, #tpu.memory_space<vmem>>, vector<1x16xf32>,
      %swap3A_286 = vector.shape_cast %swap3A_285 : vector<1x16xf32> to vector<16xf32>
      %swap3A_287 = vector.shape_cast %broadcast_in_dim3A_0 : vector<16xf32> to vector<1x16xf32>
      tpu.vector_store %arg14[%swap3A_283, %swap3A_284], %swap3A_287 {strides = array<i32>} : memref<80x128xf32, #tpu.memory_space<vmem>>, vector<1x16xf32>,
      %swap3A_288 = arith.index_cast %scan3A_253 : i32 to index
      %swap3A_289 = arith.constant 112 : index
      %swap3A_290 = tpu.vector_load %arg14[%swap3A_288, %swap3A_289] {strides = array<i32>} : memref<80x128xf32, #tpu.memory_space<vmem>>, vector<1x16xf32>,
      %swap3A_291 = vector.shape_cast %swap3A_290 : vector<1x16xf32> to vector<16xf32>
      %swap3A_292 = vector.shape_cast %broadcast_in_dim3A_0 : vector<16xf32> to vector<1x16xf32>
      tpu.vector_store %arg14[%swap3A_288, %swap3A_289], %swap3A_292 {strides = array<i32>} : memref<80x128xf32, #tpu.memory_space<vmem>>, vector<1x16xf32>,
    }
    %scan3A_5 = arith.constant 80 : i32
    %add3A = arith.constant 0 : i32
    %add3A_6 = arith.addi %add3A, %arg1 : i32
    %lt3A = arith.constant 125 : i32
    %lt3A_7 = arith.cmpi slt, %add3A_6, %lt3A : i32
    %convert_element_type3A = arith.extui %lt3A_7 : i1 to i32
    %cond3A = arith.constant 0 : i32
    %cond3A_8 = arith.cmpi ne, %convert_element_type3A, %cond3A : i32
    scf.if %cond3A_8 {
      %mul3A_253 = arith.constant 80 : i32
      %mul3A_254 = arith.muli %add3A_6, %mul3A_253 : i32
      %multiple_of3A = tpu.assume_multiple %mul3A_254, 8 : i32
      "tpu.region"() ({
        %run_scoped3A = tpu.sem_alloc : memref<!tpu.dma_semaphore, #tpu.memory_space<semaphore_mem>>
        %dma_start3A_255 = arith.constant 0 : i32
        %dma_start3A_256 = tpu.memref_slice %arg18[%multiple_of3A, %dma_start3A_255] : memref<10000x128xf32, #tpu.memory_space<vmem_shared>> -> memref<80x128xf32, #tpu.memory_space<vmem_shared>>
        %dma_start3A_257 = arith.constant 0 : i32
        %dma_start3A_258 = tpu.memref_slice %arg18[%multiple_of3A, %dma_start3A_257] : memref<10000x128xf32, #tpu.memory_space<vmem_shared>> -> memref<80x128xf32, #tpu.memory_space<vmem_shared>>
        tpu.enqueue_dma source(%arg14 : memref<80x128xf32, #tpu.memory_space<vmem>>) target(%dma_start3A_258 : memref<80x128xf32, #tpu.memory_space<vmem_shared>>) target_semaphore(%run_scoped3A : memref<!tpu.dma_semaphore, #tpu.memory_space<semaphore_mem>>)
        %dma_wait3A_259 = arith.constant 0 : i32
        %dma_wait3A_260 = tpu.memref_slice %arg18[%multiple_of3A, %dma_wait3A_259] : memref<10000x128xf32, #tpu.memory_space<vmem_shared>> -> memref<80x128xf32, #tpu.memory_space<vmem_shared>>
        %dma_wait3A_261 = arith.constant 0 : i32
        %dma_wait3A_262 = tpu.memref_slice %arg18[%multiple_of3A, %dma_wait3A_261] : memref<10000x128xf32, #tpu.memory_space<vmem_shared>> -> memref<80x128xf32, #tpu.memory_space<vmem_shared>>
        tpu.wait_dma2 semaphore(%run_scoped3A : memref<!tpu.dma_semaphore, #tpu.memory_space<semaphore_mem>>) src(%arg14 : memref<80x128xf32, #tpu.memory_space<vmem>>) dst(%dma_wait3A_262 : memref<80x128xf32, #tpu.memory_space<vmem_shared>>)
        tpu.yield
      }) : () -> ()
    } else {
    }
    %add3A_9 = arith.constant 16 : i32
    %add3A_10 = arith.addi %add3A_9, %arg1 : i32
    %lt3A_11 = arith.constant 125 : i32
    %lt3A_12 = arith.cmpi slt, %add3A_10, %lt3A_11 : i32
    %convert_element_type3A_13 = arith.extui %lt3A_12 : i1 to i32
    %cond3A_14 = arith.constant 0 : i32
    %cond3A_15 = arith.cmpi ne, %convert_element_type3A_13, %cond3A_14 : i32
    scf.if %cond3A_15 {
      %mul3A_253 = arith.constant 80 : i32
      %mul3A_254 = arith.muli %add3A_10, %mul3A_253 : i32
      %multiple_of3A = tpu.assume_multiple %mul3A_254, 8 : i32
      "tpu.region"() ({
        %run_scoped3A = tpu.sem_alloc : memref<!tpu.dma_semaphore, #tpu.memory_space<semaphore_mem>>
        %dma_start3A_255 = arith.constant 0 : i32
        %dma_start3A_256 = tpu.memref_slice %arg18[%multiple_of3A, %dma_start3A_255] : memref<10000x128xf32, #tpu.memory_space<vmem_shared>> -> memref<80x128xf32, #tpu.memory_space<vmem_shared>>
        %dma_start3A_257 = arith.constant 0 : i32
        %dma_start3A_258 = tpu.memref_slice %arg18[%multiple_of3A, %dma_start3A_257] : memref<10000x128xf32, #tpu.memory_space<vmem_shared>> -> memref<80x128xf32, #tpu.memory_space<vmem_shared>>
        tpu.enqueue_dma source(%arg14 : memref<80x128xf32, #tpu.memory_space<vmem>>) target(%dma_start3A_258 : memref<80x128xf32, #tpu.memory_space<vmem_shared>>) target_semaphore(%run_scoped3A : memref<!tpu.dma_semaphore, #tpu.memory_space<semaphore_mem>>)
        %dma_wait3A_259 = arith.constant 0 : i32
        %dma_wait3A_260 = tpu.memref_slice %arg18[%multiple_of3A, %dma_wait3A_259] : memref<10000x128xf32, #tpu.memory_space<vmem_shared>> -> memref<80x128xf32, #tpu.memory_space<vmem_shared>>
        %dma_wait3A_261 = arith.constant 0 : i32
        %dma_wait3A_262 = tpu.memref_slice %arg18[%multiple_of3A, %dma_wait3A_261] : memref<10000x128xf32, #tpu.memory_space<vmem_shared>> -> memref<80x128xf32, #tpu.memory_space<vmem_shared>>
        tpu.wait_dma2 semaphore(%run_scoped3A : memref<!tpu.dma_semaphore, #tpu.memory_space<semaphore_mem>>) src(%arg14 : memref<80x128xf32, #tpu.memory_space<vmem>>) dst(%dma_wait3A_262 : memref<80x128xf32, #tpu.memory_space<vmem_shared>>)
        tpu.yield
      }) : () -> ()
    } else {
    }
    %add3A_16 = arith.constant 32 : i32
    %add3A_17 = arith.addi %add3A_16, %arg1 : i32
    %lt3A_18 = arith.constant 125 : i32
    %lt3A_19 = arith.cmpi slt, %add3A_17, %lt3A_18 : i32
    %convert_element_type3A_20 = arith.extui %lt3A_19 : i1 to i32
    %cond3A_21 = arith.constant 0 : i32
    %cond3A_22 = arith.cmpi ne, %convert_element_type3A_20, %cond3A_21 : i32
    scf.if %cond3A_22 {
      %mul3A_253 = arith.constant 80 : i32
      %mul3A_254 = arith.muli %add3A_17, %mul3A_253 : i32
      %multiple_of3A = tpu.assume_multiple %mul3A_254, 8 : i32
      "tpu.region"() ({
        %run_scoped3A = tpu.sem_alloc : memref<!tpu.dma_semaphore, #tpu.memory_space<semaphore_mem>>
        %dma_start3A_255 = arith.constant 0 : i32
        %dma_start3A_256 = tpu.memref_slice %arg18[%multiple_of3A, %dma_start3A_255] : memref<10000x128xf32, #tpu.memory_space<vmem_shared>> -> memref<80x128xf32, #tpu.memory_space<vmem_shared>>
        %dma_start3A_257 = arith.constant 0 : i32
        %dma_start3A_258 = tpu.memref_slice %arg18[%multiple_of3A, %dma_start3A_257] : memref<10000x128xf32, #tpu.memory_space<vmem_shared>> -> memref<80x128xf32, #tpu.memory_space<vmem_shared>>
        tpu.enqueue_dma source(%arg14 : memref<80x128xf32, #tpu.memory_space<vmem>>) target(%dma_start3A_258 : memref<80x128xf32, #tpu.memory_space<vmem_shared>>) target_semaphore(%run_scoped3A : memref<!tpu.dma_semaphore, #tpu.memory_space<semaphore_mem>>)
        %dma_wait3A_259 = arith.constant 0 : i32
        %dma_wait3A_260 = tpu.memref_slice %arg18[%multiple_of3A, %dma_wait3A_259] : memref<10000x128xf32, #tpu.memory_space<vmem_shared>> -> memref<80x128xf32, #tpu.memory_space<vmem_shared>>
        %dma_wait3A_261 = arith.constant 0 : i32
        %dma_wait3A_262 = tpu.memref_slice %arg18[%multiple_of3A, %dma_wait3A_261] : memref<10000x128xf32, #tpu.memory_space<vmem_shared>> -> memref<80x128xf32, #tpu.memory_space<vmem_shared>>
        tpu.wait_dma2 semaphore(%run_scoped3A : memref<!tpu.dma_semaphore, #tpu.memory_space<semaphore_mem>>) src(%arg14 : memref<80x128xf32, #tpu.memory_space<vmem>>) dst(%dma_wait3A_262 : memref<80x128xf32, #tpu.memory_space<vmem_shared>>)
        tpu.yield
      }) : () -> ()
    } else {
    }
    %add3A_23 = arith.constant 48 : i32
    %add3A_24 = arith.addi %add3A_23, %arg1 : i32
    %lt3A_25 = arith.constant 125 : i32
    %lt3A_26 = arith.cmpi slt, %add3A_24, %lt3A_25 : i32
    %convert_element_type3A_27 = arith.extui %lt3A_26 : i1 to i32
    %cond3A_28 = arith.constant 0 : i32
    %cond3A_29 = arith.cmpi ne, %convert_element_type3A_27, %cond3A_28 : i32
    scf.if %cond3A_29 {
      %mul3A_253 = arith.constant 80 : i32
      %mul3A_254 = arith.muli %add3A_24, %mul3A_253 : i32
      %multiple_of3A = tpu.assume_multiple %mul3A_254, 8 : i32
      "tpu.region"() ({
        %run_scoped3A = tpu.sem_alloc : memref<!tpu.dma_semaphore, #tpu.memory_space<semaphore_mem>>
        %dma_start3A_255 = arith.constant 0 : i32
        %dma_start3A_256 = tpu.memref_slice %arg18[%multiple_of3A, %dma_start3A_255] : memref<10000x128xf32, #tpu.memory_space<vmem_shared>> -> memref<80x128xf32, #tpu.memory_space<vmem_shared>>
        %dma_start3A_257 = arith.constant 0 : i32
        %dma_start3A_258 = tpu.memref_slice %arg18[%multiple_of3A, %dma_start3A_257] : memref<10000x128xf32, #tpu.memory_space<vmem_shared>> -> memref<80x128xf32, #tpu.memory_space<vmem_shared>>
        tpu.enqueue_dma source(%arg14 : memref<80x128xf32, #tpu.memory_space<vmem>>) target(%dma_start3A_258 : memref<80x128xf32, #tpu.memory_space<vmem_shared>>) target_semaphore(%run_scoped3A : memref<!tpu.dma_semaphore, #tpu.memory_space<semaphore_mem>>)
        %dma_wait3A_259 = arith.constant 0 : i32
        %dma_wait3A_260 = tpu.memref_slice %arg18[%multiple_of3A, %dma_wait3A_259] : memref<10000x128xf32, #tpu.memory_space<vmem_shared>> -> memref<80x128xf32, #tpu.memory_space<vmem_shared>>
        %dma_wait3A_261 = arith.constant 0 : i32
        %dma_wait3A_262 = tpu.memref_slice %arg18[%multiple_of3A, %dma_wait3A_261] : memref<10000x128xf32, #tpu.memory_space<vmem_shared>> -> memref<80x128xf32, #tpu.memory_space<vmem_shared>>
        tpu.wait_dma2 semaphore(%run_scoped3A : memref<!tpu.dma_semaphore, #tpu.memory_space<semaphore_mem>>) src(%arg14 : memref<80x128xf32, #tpu.memory_space<vmem>>) dst(%dma_wait3A_262 : memref<80x128xf32, #tpu.memory_space<vmem_shared>>)
        tpu.yield
      }) : () -> ()
    } else {
    }
    %add3A_30 = arith.constant 64 : i32
    %add3A_31 = arith.addi %add3A_30, %arg1 : i32
    %lt3A_32 = arith.constant 125 : i32
    %lt3A_33 = arith.cmpi slt, %add3A_31, %lt3A_32 : i32
    %convert_element_type3A_34 = arith.extui %lt3A_33 : i1 to i32
    %cond3A_35 = arith.constant 0 : i32
    %cond3A_36 = arith.cmpi ne, %convert_element_type3A_34, %cond3A_35 : i32
    scf.if %cond3A_36 {
      %mul3A_253 = arith.constant 80 : i32
      %mul3A_254 = arith.muli %add3A_31, %mul3A_253 : i32
      %multiple_of3A = tpu.assume_multiple %mul3A_254, 8 : i32
      "tpu.region"() ({
        %run_scoped3A = tpu.sem_alloc : memref<!tpu.dma_semaphore, #tpu.memory_space<semaphore_mem>>
        %dma_start3A_255 = arith.constant 0 : i32
        %dma_start3A_256 = tpu.memref_slice %arg18[%multiple_of3A, %dma_start3A_255] : memref<10000x128xf32, #tpu.memory_space<vmem_shared>> -> memref<80x128xf32, #tpu.memory_space<vmem_shared>>
        %dma_start3A_257 = arith.constant 0 : i32
        %dma_start3A_258 = tpu.memref_slice %arg18[%multiple_of3A, %dma_start3A_257] : memref<10000x128xf32, #tpu.memory_space<vmem_shared>> -> memref<80x128xf32, #tpu.memory_space<vmem_shared>>
        tpu.enqueue_dma source(%arg14 : memref<80x128xf32, #tpu.memory_space<vmem>>) target(%dma_start3A_258 : memref<80x128xf32, #tpu.memory_space<vmem_shared>>) target_semaphore(%run_scoped3A : memref<!tpu.dma_semaphore, #tpu.memory_space<semaphore_mem>>)
        %dma_wait3A_259 = arith.constant 0 : i32
        %dma_wait3A_260 = tpu.memref_slice %arg18[%multiple_of3A, %dma_wait3A_259] : memref<10000x128xf32, #tpu.memory_space<vmem_shared>> -> memref<80x128xf32, #tpu.memory_space<vmem_shared>>
        %dma_wait3A_261 = arith.constant 0 : i32
        %dma_wait3A_262 = tpu.memref_slice %arg18[%multiple_of3A, %dma_wait3A_261] : memref<10000x128xf32, #tpu.memory_space<vmem_shared>> -> memref<80x128xf32, #tpu.memory_space<vmem_shared>>
        tpu.wait_dma2 semaphore(%run_scoped3A : memref<!tpu.dma_semaphore, #tpu.memory_space<semaphore_mem>>) src(%arg14 : memref<80x128xf32, #tpu.memory_space<vmem>>) dst(%dma_wait3A_262 : memref<80x128xf32, #tpu.memory_space<vmem_shared>>)
        tpu.yield
      }) : () -> ()
    } else {
    }
    %add3A_37 = arith.constant 80 : i32
    %add3A_38 = arith.addi %add3A_37, %arg1 : i32
    %lt3A_39 = arith.constant 125 : i32
    %lt3A_40 = arith.cmpi slt, %add3A_38, %lt3A_39 : i32
    %convert_element_type3A_41 = arith.extui %lt3A_40 : i1 to i32
    %cond3A_42 = arith.constant 0 : i32
    %cond3A_43 = arith.cmpi ne, %convert_element_type3A_41, %cond3A_42 : i32
    scf.if %cond3A_43 {
      %mul3A_253 = arith.constant 80 : i32
      %mul3A_254 = arith.muli %add3A_38, %mul3A_253 : i32
      %multiple_of3A = tpu.assume_multiple %mul3A_254, 8 : i32
      "tpu.region"() ({
        %run_scoped3A = tpu.sem_alloc : memref<!tpu.dma_semaphore, #tpu.memory_space<semaphore_mem>>
        %dma_start3A_255 = arith.constant 0 : i32
        %dma_start3A_256 = tpu.memref_slice %arg18[%multiple_of3A, %dma_start3A_255] : memref<10000x128xf32, #tpu.memory_space<vmem_shared>> -> memref<80x128xf32, #tpu.memory_space<vmem_shared>>
        %dma_start3A_257 = arith.constant 0 : i32
        %dma_start3A_258 = tpu.memref_slice %arg18[%multiple_of3A, %dma_start3A_257] : memref<10000x128xf32, #tpu.memory_space<vmem_shared>> -> memref<80x128xf32, #tpu.memory_space<vmem_shared>>
        tpu.enqueue_dma source(%arg14 : memref<80x128xf32, #tpu.memory_space<vmem>>) target(%dma_start3A_258 : memref<80x128xf32, #tpu.memory_space<vmem_shared>>) target_semaphore(%run_scoped3A : memref<!tpu.dma_semaphore, #tpu.memory_space<semaphore_mem>>)
        %dma_wait3A_259 = arith.constant 0 : i32
        %dma_wait3A_260 = tpu.memref_slice %arg18[%multiple_of3A, %dma_wait3A_259] : memref<10000x128xf32, #tpu.memory_space<vmem_shared>> -> memref<80x128xf32, #tpu.memory_space<vmem_shared>>
        %dma_wait3A_261 = arith.constant 0 : i32
        %dma_wait3A_262 = tpu.memref_slice %arg18[%multiple_of3A, %dma_wait3A_261] : memref<10000x128xf32, #tpu.memory_space<vmem_shared>> -> memref<80x128xf32, #tpu.memory_space<vmem_shared>>
        tpu.wait_dma2 semaphore(%run_scoped3A : memref<!tpu.dma_semaphore, #tpu.memory_space<semaphore_mem>>) src(%arg14 : memref<80x128xf32, #tpu.memory_space<vmem>>) dst(%dma_wait3A_262 : memref<80x128xf32, #tpu.memory_space<vmem_shared>>)
        tpu.yield
      }) : () -> ()
    } else {
    }
    %add3A_44 = arith.constant 96 : i32
    %add3A_45 = arith.addi %add3A_44, %arg1 : i32
    %lt3A_46 = arith.constant 125 : i32
    %lt3A_47 = arith.cmpi slt, %add3A_45, %lt3A_46 : i32
    %convert_element_type3A_48 = arith.extui %lt3A_47 : i1 to i32
    %cond3A_49 = arith.constant 0 : i32
    %cond3A_50 = arith.cmpi ne, %convert_element_type3A_48, %cond3A_49 : i32
    scf.if %cond3A_50 {
      %mul3A_253 = arith.constant 80 : i32
      %mul3A_254 = arith.muli %add3A_45, %mul3A_253 : i32
      %multiple_of3A = tpu.assume_multiple %mul3A_254, 8 : i32
      "tpu.region"() ({
        %run_scoped3A = tpu.sem_alloc : memref<!tpu.dma_semaphore, #tpu.memory_space<semaphore_mem>>
        %dma_start3A_255 = arith.constant 0 : i32
        %dma_start3A_256 = tpu.memref_slice %arg18[%multiple_of3A, %dma_start3A_255] : memref<10000x128xf32, #tpu.memory_space<vmem_shared>> -> memref<80x128xf32, #tpu.memory_space<vmem_shared>>
        %dma_start3A_257 = arith.constant 0 : i32
        %dma_start3A_258 = tpu.memref_slice %arg18[%multiple_of3A, %dma_start3A_257] : memref<10000x128xf32, #tpu.memory_space<vmem_shared>> -> memref<80x128xf32, #tpu.memory_space<vmem_shared>>
        tpu.enqueue_dma source(%arg14 : memref<80x128xf32, #tpu.memory_space<vmem>>) target(%dma_start3A_258 : memref<80x128xf32, #tpu.memory_space<vmem_shared>>) target_semaphore(%run_scoped3A : memref<!tpu.dma_semaphore, #tpu.memory_space<semaphore_mem>>)
        %dma_wait3A_259 = arith.constant 0 : i32
        %dma_wait3A_260 = tpu.memref_slice %arg18[%multiple_of3A, %dma_wait3A_259] : memref<10000x128xf32, #tpu.memory_space<vmem_shared>> -> memref<80x128xf32, #tpu.memory_space<vmem_shared>>
        %dma_wait3A_261 = arith.constant 0 : i32
        %dma_wait3A_262 = tpu.memref_slice %arg18[%multiple_of3A, %dma_wait3A_261] : memref<10000x128xf32, #tpu.memory_space<vmem_shared>> -> memref<80x128xf32, #tpu.memory_space<vmem_shared>>
        tpu.wait_dma2 semaphore(%run_scoped3A : memref<!tpu.dma_semaphore, #tpu.memory_space<semaphore_mem>>) src(%arg14 : memref<80x128xf32, #tpu.memory_space<vmem>>) dst(%dma_wait3A_262 : memref<80x128xf32, #tpu.memory_space<vmem_shared>>)
        tpu.yield
      }) : () -> ()
    } else {
    }
    %add3A_51 = arith.constant 112 : i32
    %add3A_52 = arith.addi %add3A_51, %arg1 : i32
    %lt3A_53 = arith.constant 125 : i32
    %lt3A_54 = arith.cmpi slt, %add3A_52, %lt3A_53 : i32
    %convert_element_type3A_55 = arith.extui %lt3A_54 : i1 to i32
    %cond3A_56 = arith.constant 0 : i32
    %cond3A_57 = arith.cmpi ne, %convert_element_type3A_55, %cond3A_56 : i32
    scf.if %cond3A_57 {
      %mul3A_253 = arith.constant 80 : i32
      %mul3A_254 = arith.muli %add3A_52, %mul3A_253 : i32
      %multiple_of3A = tpu.assume_multiple %mul3A_254, 8 : i32
      "tpu.region"() ({
        %run_scoped3A = tpu.sem_alloc : memref<!tpu.dma_semaphore, #tpu.memory_space<semaphore_mem>>
        %dma_start3A_255 = arith.constant 0 : i32
        %dma_start3A_256 = tpu.memref_slice %arg18[%multiple_of3A, %dma_start3A_255] : memref<10000x128xf32, #tpu.memory_space<vmem_shared>> -> memref<80x128xf32, #tpu.memory_space<vmem_shared>>
        %dma_start3A_257 = arith.constant 0 : i32
        %dma_start3A_258 = tpu.memref_slice %arg18[%multiple_of3A, %dma_start3A_257] : memref<10000x128xf32, #tpu.memory_space<vmem_shared>> -> memref<80x128xf32, #tpu.memory_space<vmem_shared>>
        tpu.enqueue_dma source(%arg14 : memref<80x128xf32, #tpu.memory_space<vmem>>) target(%dma_start3A_258 : memref<80x128xf32, #tpu.memory_space<vmem_shared>>) target_semaphore(%run_scoped3A : memref<!tpu.dma_semaphore, #tpu.memory_space<semaphore_mem>>)
        %dma_wait3A_259 = arith.constant 0 : i32
        %dma_wait3A_260 = tpu.memref_slice %arg18[%multiple_of3A, %dma_wait3A_259] : memref<10000x128xf32, #tpu.memory_space<vmem_shared>> -> memref<80x128xf32, #tpu.memory_space<vmem_shared>>
        %dma_wait3A_261 = arith.constant 0 : i32
        %dma_wait3A_262 = tpu.memref_slice %arg18[%multiple_of3A, %dma_wait3A_261] : memref<10000x128xf32, #tpu.memory_space<vmem_shared>> -> memref<80x128xf32, #tpu.memory_space<vmem_shared>>
        tpu.wait_dma2 semaphore(%run_scoped3A : memref<!tpu.dma_semaphore, #tpu.memory_space<semaphore_mem>>) src(%arg14 : memref<80x128xf32, #tpu.memory_space<vmem>>) dst(%dma_wait3A_262 : memref<80x128xf32, #tpu.memory_space<vmem_shared>>)
        tpu.yield
      }) : () -> ()
    } else {
    }
    %barrier3A = arith.constant 0 : index
    tpu.barrier barrier_id(%barrier3A)
    %mul3A = arith.constant 16 : i32
    %mul3A_58 = arith.muli %arg0, %mul3A : i32
    %add3A_59 = arith.addi %mul3A_58, %arg1 : i32
    %mul3A_60 = arith.constant 10000 : i32
    %mul3A_61 = arith.muli %add3A_59, %mul3A_60 : i32
    %add3A_62 = arith.constant 0 : i32
    %add3A_63 = arith.addi %mul3A_61, %add3A_62 : i32
    %dma_start3A = tpu.memref_slice %arg3[%add3A_63] : memref<320000xi32, #tpu.memory_space<hbm>> -> memref<80xi32, #tpu.memory_space<hbm>>
    %dma_start3A_64 = tpu.memref_slice %arg3[%add3A_63] : memref<320000xi32, #tpu.memory_space<hbm>> -> memref<80xi32, #tpu.memory_space<hbm>>
    tpu.enqueue_dma source(%dma_start3A_64 : memref<80xi32, #tpu.memory_space<hbm>>) target(%arg6 : memref<80xi32, #tpu.memory_space<vmem>>) target_semaphore(%arg19 : memref<!tpu.dma_semaphore, #tpu.memory_space<semaphore_mem>>)
    %dma_start3A_65 = tpu.memref_slice %arg4[%add3A_63] : memref<320000xi32, #tpu.memory_space<hbm>> -> memref<80xi32, #tpu.memory_space<hbm>>
    %dma_start3A_66 = tpu.memref_slice %arg4[%add3A_63] : memref<320000xi32, #tpu.memory_space<hbm>> -> memref<80xi32, #tpu.memory_space<hbm>>
    tpu.enqueue_dma source(%dma_start3A_66 : memref<80xi32, #tpu.memory_space<hbm>>) target(%arg10 : memref<80xi32, #tpu.memory_space<vmem>>) target_semaphore(%arg19 : memref<!tpu.dma_semaphore, #tpu.memory_space<semaphore_mem>>)
    %add3A_67 = arith.constant 80 : i32
    %add3A_68 = arith.addi %mul3A_61, %add3A_67 : i32
    %dma_start3A_69 = tpu.memref_slice %arg3[%add3A_68] : memref<320000xi32, #tpu.memory_space<hbm>> -> memref<80xi32, #tpu.memory_space<hbm>>
    %dma_start3A_70 = tpu.memref_slice %arg3[%add3A_68] : memref<320000xi32, #tpu.memory_space<hbm>> -> memref<80xi32, #tpu.memory_space<hbm>>
    tpu.enqueue_dma source(%dma_start3A_70 : memref<80xi32, #tpu.memory_space<hbm>>) target(%arg7 : memref<80xi32, #tpu.memory_space<vmem>>) target_semaphore(%arg20 : memref<!tpu.dma_semaphore, #tpu.memory_space<semaphore_mem>>)
    %dma_start3A_71 = tpu.memref_slice %arg4[%add3A_68] : memref<320000xi32, #tpu.memory_space<hbm>> -> memref<80xi32, #tpu.memory_space<hbm>>
    %dma_start3A_72 = tpu.memref_slice %arg4[%add3A_68] : memref<320000xi32, #tpu.memory_space<hbm>> -> memref<80xi32, #tpu.memory_space<hbm>>
    tpu.enqueue_dma source(%dma_start3A_72 : memref<80xi32, #tpu.memory_space<hbm>>) target(%arg11 : memref<80xi32, #tpu.memory_space<vmem>>) target_semaphore(%arg20 : memref<!tpu.dma_semaphore, #tpu.memory_space<semaphore_mem>>)
    %add3A_73 = arith.constant 160 : i32
    %add3A_74 = arith.addi %mul3A_61, %add3A_73 : i32
    %dma_start3A_75 = tpu.memref_slice %arg3[%add3A_74] : memref<320000xi32, #tpu.memory_space<hbm>> -> memref<80xi32, #tpu.memory_space<hbm>>
    %dma_start3A_76 = tpu.memref_slice %arg3[%add3A_74] : memref<320000xi32, #tpu.memory_space<hbm>> -> memref<80xi32, #tpu.memory_space<hbm>>
    tpu.enqueue_dma source(%dma_start3A_76 : memref<80xi32, #tpu.memory_space<hbm>>) target(%arg8 : memref<80xi32, #tpu.memory_space<vmem>>) target_semaphore(%arg21 : memref<!tpu.dma_semaphore, #tpu.memory_space<semaphore_mem>>)
    %dma_start3A_77 = tpu.memref_slice %arg4[%add3A_74] : memref<320000xi32, #tpu.memory_space<hbm>> -> memref<80xi32, #tpu.memory_space<hbm>>
    %dma_start3A_78 = tpu.memref_slice %arg4[%add3A_74] : memref<320000xi32, #tpu.memory_space<hbm>> -> memref<80xi32, #tpu.memory_space<hbm>>
    tpu.enqueue_dma source(%dma_start3A_78 : memref<80xi32, #tpu.memory_space<hbm>>) target(%arg12 : memref<80xi32, #tpu.memory_space<vmem>>) target_semaphore(%arg21 : memref<!tpu.dma_semaphore, #tpu.memory_space<semaphore_mem>>)
    %add3A_79 = arith.constant 240 : i32
    %add3A_80 = arith.addi %mul3A_61, %add3A_79 : i32
    %dma_start3A_81 = tpu.memref_slice %arg3[%add3A_80] : memref<320000xi32, #tpu.memory_space<hbm>> -> memref<80xi32, #tpu.memory_space<hbm>>
    %dma_start3A_82 = tpu.memref_slice %arg3[%add3A_80] : memref<320000xi32, #tpu.memory_space<hbm>> -> memref<80xi32, #tpu.memory_space<hbm>>
    tpu.enqueue_dma source(%dma_start3A_82 : memref<80xi32, #tpu.memory_space<hbm>>) target(%arg9 : memref<80xi32, #tpu.memory_space<vmem>>) target_semaphore(%arg22 : memref<!tpu.dma_semaphore, #tpu.memory_space<semaphore_mem>>)
    %dma_start3A_83 = tpu.memref_slice %arg4[%add3A_80] : memref<320000xi32, #tpu.memory_space<hbm>> -> memref<80xi32, #tpu.memory_space<hbm>>
    %dma_start3A_84 = tpu.memref_slice %arg4[%add3A_80] : memref<320000xi32, #tpu.memory_space<hbm>> -> memref<80xi32, #tpu.memory_space<hbm>>
    tpu.enqueue_dma source(%dma_start3A_84 : memref<80xi32, #tpu.memory_space<hbm>>) target(%arg13 : memref<80xi32, #tpu.memory_space<vmem>>) target_semaphore(%arg22 : memref<!tpu.dma_semaphore, #tpu.memory_space<semaphore_mem>>)
    %add3A_85 = arith.constant 0 : i32
    %add3A_86 = arith.addi %mul3A_61, %add3A_85 : i32
    %dma_wait3A = tpu.memref_slice %arg3[%add3A_86] : memref<320000xi32, #tpu.memory_space<hbm>> -> memref<80xi32, #tpu.memory_space<hbm>>
    %dma_wait3A_87 = tpu.memref_slice %arg3[%add3A_86] : memref<320000xi32, #tpu.memory_space<hbm>> -> memref<80xi32, #tpu.memory_space<hbm>>
    tpu.wait_dma2 semaphore(%arg19 : memref<!tpu.dma_semaphore, #tpu.memory_space<semaphore_mem>>) src(%dma_wait3A_87 : memref<80xi32, #tpu.memory_space<hbm>>) dst(%arg6 : memref<80xi32, #tpu.memory_space<vmem>>)
    %dma_start3A_88 = arith.constant 0 : i32
    %dma_start3A_89 = arith.constant 0 : i32
    %dma_start3A_90 = tpu.memref_slice %arg2[%dma_start3A_88, %dma_start3A_89] : memref<10000x128xf32, #tpu.memory_space<hbm>> -> memref<10000x128xf32, #tpu.memory_space<hbm>>
    tpu.enqueue_indirect_dma source(%dma_start3A_90 : memref<10000x128xf32, #tpu.memory_space<hbm>>) target(%arg14 : memref<80x128xf32, #tpu.memory_space<vmem>>) offsets(%arg6 : memref<80xi32, #tpu.memory_space<vmem>>) semaphore(%arg23 : memref<!tpu.dma_semaphore, #tpu.memory_space<semaphore_mem>>)
    %add3A_91 = arith.constant 80 : i32
    %add3A_92 = arith.addi %mul3A_61, %add3A_91 : i32
    %dma_wait3A_93 = tpu.memref_slice %arg3[%add3A_92] : memref<320000xi32, #tpu.memory_space<hbm>> -> memref<80xi32, #tpu.memory_space<hbm>>
    %dma_wait3A_94 = tpu.memref_slice %arg3[%add3A_92] : memref<320000xi32, #tpu.memory_space<hbm>> -> memref<80xi32, #tpu.memory_space<hbm>>
    tpu.wait_dma2 semaphore(%arg20 : memref<!tpu.dma_semaphore, #tpu.memory_space<semaphore_mem>>) src(%dma_wait3A_94 : memref<80xi32, #tpu.memory_space<hbm>>) dst(%arg7 : memref<80xi32, #tpu.memory_space<vmem>>)
    %dma_start3A_95 = arith.constant 0 : i32
    %dma_start3A_96 = arith.constant 0 : i32
    %dma_start3A_97 = tpu.memref_slice %arg2[%dma_start3A_95, %dma_start3A_96] : memref<10000x128xf32, #tpu.memory_space<hbm>> -> memref<10000x128xf32, #tpu.memory_space<hbm>>
    tpu.enqueue_indirect_dma source(%dma_start3A_97 : memref<10000x128xf32, #tpu.memory_space<hbm>>) target(%arg15 : memref<80x128xf32, #tpu.memory_space<vmem>>) offsets(%arg7 : memref<80xi32, #tpu.memory_space<vmem>>) semaphore(%arg24 : memref<!tpu.dma_semaphore, #tpu.memory_space<semaphore_mem>>)
    %add3A_98 = arith.constant 160 : i32
    %add3A_99 = arith.addi %mul3A_61, %add3A_98 : i32
    %dma_wait3A_100 = tpu.memref_slice %arg3[%add3A_99] : memref<320000xi32, #tpu.memory_space<hbm>> -> memref<80xi32, #tpu.memory_space<hbm>>
    %dma_wait3A_101 = tpu.memref_slice %arg3[%add3A_99] : memref<320000xi32, #tpu.memory_space<hbm>> -> memref<80xi32, #tpu.memory_space<hbm>>
    tpu.wait_dma2 semaphore(%arg21 : memref<!tpu.dma_semaphore, #tpu.memory_space<semaphore_mem>>) src(%dma_wait3A_101 : memref<80xi32, #tpu.memory_space<hbm>>) dst(%arg8 : memref<80xi32, #tpu.memory_space<vmem>>)
    %dma_start3A_102 = arith.constant 0 : i32
    %dma_start3A_103 = arith.constant 0 : i32
    %dma_start3A_104 = tpu.memref_slice %arg2[%dma_start3A_102, %dma_start3A_103] : memref<10000x128xf32, #tpu.memory_space<hbm>> -> memref<10000x128xf32, #tpu.memory_space<hbm>>
    tpu.enqueue_indirect_dma source(%dma_start3A_104 : memref<10000x128xf32, #tpu.memory_space<hbm>>) target(%arg16 : memref<80x128xf32, #tpu.memory_space<vmem>>) offsets(%arg8 : memref<80xi32, #tpu.memory_space<vmem>>) semaphore(%arg25 : memref<!tpu.dma_semaphore, #tpu.memory_space<semaphore_mem>>)
    %add3A_105 = arith.constant 240 : i32
    %add3A_106 = arith.addi %mul3A_61, %add3A_105 : i32
    %dma_wait3A_107 = tpu.memref_slice %arg3[%add3A_106] : memref<320000xi32, #tpu.memory_space<hbm>> -> memref<80xi32, #tpu.memory_space<hbm>>
    %dma_wait3A_108 = tpu.memref_slice %arg3[%add3A_106] : memref<320000xi32, #tpu.memory_space<hbm>> -> memref<80xi32, #tpu.memory_space<hbm>>
    tpu.wait_dma2 semaphore(%arg22 : memref<!tpu.dma_semaphore, #tpu.memory_space<semaphore_mem>>) src(%dma_wait3A_108 : memref<80xi32, #tpu.memory_space<hbm>>) dst(%arg9 : memref<80xi32, #tpu.memory_space<vmem>>)
    %dma_start3A_109 = arith.constant 0 : i32
    %dma_start3A_110 = arith.constant 0 : i32
    %dma_start3A_111 = tpu.memref_slice %arg2[%dma_start3A_109, %dma_start3A_110] : memref<10000x128xf32, #tpu.memory_space<hbm>> -> memref<10000x128xf32, #tpu.memory_space<hbm>>
    tpu.enqueue_indirect_dma source(%dma_start3A_111 : memref<10000x128xf32, #tpu.memory_space<hbm>>) target(%arg17 : memref<80x128xf32, #tpu.memory_space<vmem>>) offsets(%arg9 : memref<80xi32, #tpu.memory_space<vmem>>) semaphore(%arg26 : memref<!tpu.dma_semaphore, #tpu.memory_space<semaphore_mem>>)
    %scan3A_112 = arith.constant 0 : i32
    %scan3A_113 = arith.constant 0 : i32
    %scan3A_114 = arith.constant 30 : i32
    %scan3A_115 = arith.addi %scan3A_113, %scan3A_114 : i32
    %scan3A_116 = arith.constant 1 : i32
    scf.for %scan3A_253 = %scan3A_113 to %scan3A_115 step %scan3A_116  : i32 {
      %mul3A_254 = arith.constant 4 : i32
      %mul3A_255 = arith.muli %scan3A_253, %mul3A_254 : i32
      %add3A_256 = arith.constant 4 : i32
      %add3A_257 = arith.addi %mul3A_255, %add3A_256 : i32
      %add3A_258 = arith.constant 0 : i32
      %add3A_259 = arith.addi %mul3A_255, %add3A_258 : i32
      %mul3A_260 = arith.constant 80 : i32
      %mul3A_261 = arith.muli %add3A_259, %mul3A_260 : i32
      %add3A_262 = arith.addi %mul3A_61, %mul3A_261 : i32
      %dma_wait3A_263 = arith.constant 0 : i32
      %dma_wait3A_264 = arith.constant 0 : i32
      %dma_wait3A_265 = tpu.memref_slice %arg2[%dma_wait3A_263, %dma_wait3A_264] : memref<10000x128xf32, #tpu.memory_space<hbm>> -> memref<10000x128xf32, #tpu.memory_space<hbm>>
      tpu.wait_indirect_dma semaphore(%arg23 : memref<!tpu.dma_semaphore, #tpu.memory_space<semaphore_mem>>) src(%dma_wait3A_265 : memref<10000x128xf32, #tpu.memory_space<hbm>>) dst(%arg14 : memref<80x128xf32, #tpu.memory_space<vmem>>)
      %dma_wait3A_266 = tpu.memref_slice %arg4[%add3A_262] : memref<320000xi32, #tpu.memory_space<hbm>> -> memref<80xi32, #tpu.memory_space<hbm>>
      %dma_wait3A_267 = tpu.memref_slice %arg4[%add3A_262] : memref<320000xi32, #tpu.memory_space<hbm>> -> memref<80xi32, #tpu.memory_space<hbm>>
      tpu.wait_dma2 semaphore(%arg19 : memref<!tpu.dma_semaphore, #tpu.memory_space<semaphore_mem>>) src(%dma_wait3A_267 : memref<80xi32, #tpu.memory_space<hbm>>) dst(%arg10 : memref<80xi32, #tpu.memory_space<vmem>>)
      %dma_start3A_268 = arith.constant 0 : i32
      %dma_start3A_269 = arith.constant 0 : i32
      %dma_start3A_270 = tpu.memref_slice %arg18[%dma_start3A_268, %dma_start3A_269] : memref<10000x128xf32, #tpu.memory_space<vmem_shared>> -> memref<10000x128xf32, #tpu.memory_space<vmem_shared>>
      tpu.enqueue_indirect_dma source(%arg14 : memref<80x128xf32, #tpu.memory_space<vmem>>) target(%dma_start3A_270 : memref<10000x128xf32, #tpu.memory_space<vmem_shared>>) offsets(%arg10 : memref<80xi32, #tpu.memory_space<vmem>>) semaphore(%arg27 : memref<!tpu.dma_semaphore, #tpu.memory_space<semaphore_mem>>) {add = true}
      %add3A_271 = arith.constant 1 : i32
      %add3A_272 = arith.addi %mul3A_255, %add3A_271 : i32
      %mul3A_273 = arith.constant 80 : i32
      %mul3A_274 = arith.muli %add3A_272, %mul3A_273 : i32
      %add3A_275 = arith.addi %mul3A_61, %mul3A_274 : i32
      %dma_wait3A_276 = arith.constant 0 : i32
      %dma_wait3A_277 = arith.constant 0 : i32
      %dma_wait3A_278 = tpu.memref_slice %arg2[%dma_wait3A_276, %dma_wait3A_277] : memref<10000x128xf32, #tpu.memory_space<hbm>> -> memref<10000x128xf32, #tpu.memory_space<hbm>>
      tpu.wait_indirect_dma semaphore(%arg24 : memref<!tpu.dma_semaphore, #tpu.memory_space<semaphore_mem>>) src(%dma_wait3A_278 : memref<10000x128xf32, #tpu.memory_space<hbm>>) dst(%arg15 : memref<80x128xf32, #tpu.memory_space<vmem>>)
      %dma_wait3A_279 = tpu.memref_slice %arg4[%add3A_275] : memref<320000xi32, #tpu.memory_space<hbm>> -> memref<80xi32, #tpu.memory_space<hbm>>
      %dma_wait3A_280 = tpu.memref_slice %arg4[%add3A_275] : memref<320000xi32, #tpu.memory_space<hbm>> -> memref<80xi32, #tpu.memory_space<hbm>>
      tpu.wait_dma2 semaphore(%arg20 : memref<!tpu.dma_semaphore, #tpu.memory_space<semaphore_mem>>) src(%dma_wait3A_280 : memref<80xi32, #tpu.memory_space<hbm>>) dst(%arg11 : memref<80xi32, #tpu.memory_space<vmem>>)
      %dma_start3A_281 = arith.constant 0 : i32
      %dma_start3A_282 = arith.constant 0 : i32
      %dma_start3A_283 = tpu.memref_slice %arg18[%dma_start3A_281, %dma_start3A_282] : memref<10000x128xf32, #tpu.memory_space<vmem_shared>> -> memref<10000x128xf32, #tpu.memory_space<vmem_shared>>
      tpu.enqueue_indirect_dma source(%arg15 : memref<80x128xf32, #tpu.memory_space<vmem>>) target(%dma_start3A_283 : memref<10000x128xf32, #tpu.memory_space<vmem_shared>>) offsets(%arg11 : memref<80xi32, #tpu.memory_space<vmem>>) semaphore(%arg28 : memref<!tpu.dma_semaphore, #tpu.memory_space<semaphore_mem>>) {add = true}
      %add3A_284 = arith.constant 2 : i32
      %add3A_285 = arith.addi %mul3A_255, %add3A_284 : i32
      %mul3A_286 = arith.constant 80 : i32
      %mul3A_287 = arith.muli %add3A_285, %mul3A_286 : i32
      %add3A_288 = arith.addi %mul3A_61, %mul3A_287 : i32
      %dma_wait3A_289 = arith.constant 0 : i32
      %dma_wait3A_290 = arith.constant 0 : i32
      %dma_wait3A_291 = tpu.memref_slice %arg2[%dma_wait3A_289, %dma_wait3A_290] : memref<10000x128xf32, #tpu.memory_space<hbm>> -> memref<10000x128xf32, #tpu.memory_space<hbm>>
      tpu.wait_indirect_dma semaphore(%arg25 : memref<!tpu.dma_semaphore, #tpu.memory_space<semaphore_mem>>) src(%dma_wait3A_291 : memref<10000x128xf32, #tpu.memory_space<hbm>>) dst(%arg16 : memref<80x128xf32, #tpu.memory_space<vmem>>)
      %dma_wait3A_292 = tpu.memref_slice %arg4[%add3A_288] : memref<320000xi32, #tpu.memory_space<hbm>> -> memref<80xi32, #tpu.memory_space<hbm>>
      %dma_wait3A_293 = tpu.memref_slice %arg4[%add3A_288] : memref<320000xi32, #tpu.memory_space<hbm>> -> memref<80xi32, #tpu.memory_space<hbm>>
      tpu.wait_dma2 semaphore(%arg21 : memref<!tpu.dma_semaphore, #tpu.memory_space<semaphore_mem>>) src(%dma_wait3A_293 : memref<80xi32, #tpu.memory_space<hbm>>) dst(%arg12 : memref<80xi32, #tpu.memory_space<vmem>>)
      %dma_start3A_294 = arith.constant 0 : i32
      %dma_start3A_295 = arith.constant 0 : i32
      %dma_start3A_296 = tpu.memref_slice %arg18[%dma_start3A_294, %dma_start3A_295] : memref<10000x128xf32, #tpu.memory_space<vmem_shared>> -> memref<10000x128xf32, #tpu.memory_space<vmem_shared>>
      tpu.enqueue_indirect_dma source(%arg16 : memref<80x128xf32, #tpu.memory_space<vmem>>) target(%dma_start3A_296 : memref<10000x128xf32, #tpu.memory_space<vmem_shared>>) offsets(%arg12 : memref<80xi32, #tpu.memory_space<vmem>>) semaphore(%arg29 : memref<!tpu.dma_semaphore, #tpu.memory_space<semaphore_mem>>) {add = true}
      %add3A_297 = arith.constant 3 : i32
      %add3A_298 = arith.addi %mul3A_255, %add3A_297 : i32
      %mul3A_299 = arith.constant 80 : i32
      %mul3A_300 = arith.muli %add3A_298, %mul3A_299 : i32
      %add3A_301 = arith.addi %mul3A_61, %mul3A_300 : i32
      %dma_wait3A_302 = arith.constant 0 : i32
      %dma_wait3A_303 = arith.constant 0 : i32
      %dma_wait3A_304 = tpu.memref_slice %arg2[%dma_wait3A_302, %dma_wait3A_303] : memref<10000x128xf32, #tpu.memory_space<hbm>> -> memref<10000x128xf32, #tpu.memory_space<hbm>>
      tpu.wait_indirect_dma semaphore(%arg26 : memref<!tpu.dma_semaphore, #tpu.memory_space<semaphore_mem>>) src(%dma_wait3A_304 : memref<10000x128xf32, #tpu.memory_space<hbm>>) dst(%arg17 : memref<80x128xf32, #tpu.memory_space<vmem>>)
      %dma_wait3A_305 = tpu.memref_slice %arg4[%add3A_301] : memref<320000xi32, #tpu.memory_space<hbm>> -> memref<80xi32, #tpu.memory_space<hbm>>
      %dma_wait3A_306 = tpu.memref_slice %arg4[%add3A_301] : memref<320000xi32, #tpu.memory_space<hbm>> -> memref<80xi32, #tpu.memory_space<hbm>>
      tpu.wait_dma2 semaphore(%arg22 : memref<!tpu.dma_semaphore, #tpu.memory_space<semaphore_mem>>) src(%dma_wait3A_306 : memref<80xi32, #tpu.memory_space<hbm>>) dst(%arg13 : memref<80xi32, #tpu.memory_space<vmem>>)
      %dma_start3A_307 = arith.constant 0 : i32
      %dma_start3A_308 = arith.constant 0 : i32
      %dma_start3A_309 = tpu.memref_slice %arg18[%dma_start3A_307, %dma_start3A_308] : memref<10000x128xf32, #tpu.memory_space<vmem_shared>> -> memref<10000x128xf32, #tpu.memory_space<vmem_shared>>
      tpu.enqueue_indirect_dma source(%arg17 : memref<80x128xf32, #tpu.memory_space<vmem>>) target(%dma_start3A_309 : memref<10000x128xf32, #tpu.memory_space<vmem_shared>>) offsets(%arg13 : memref<80xi32, #tpu.memory_space<vmem>>) semaphore(%arg30 : memref<!tpu.dma_semaphore, #tpu.memory_space<semaphore_mem>>) {add = true}
      %dma_wait3A_310 = arith.constant 0 : i32
      %dma_wait3A_311 = arith.constant 0 : i32
      %dma_wait3A_312 = tpu.memref_slice %arg18[%dma_wait3A_310, %dma_wait3A_311] : memref<10000x128xf32, #tpu.memory_space<vmem_shared>> -> memref<10000x128xf32, #tpu.memory_space<vmem_shared>>
      tpu.wait_indirect_dma semaphore(%arg27 : memref<!tpu.dma_semaphore, #tpu.memory_space<semaphore_mem>>) src(%arg14 : memref<80x128xf32, #tpu.memory_space<vmem>>) dst(%dma_wait3A_312 : memref<10000x128xf32, #tpu.memory_space<vmem_shared>>)
      %add3A_313 = arith.constant 0 : i32
      %add3A_314 = arith.addi %add3A_257, %add3A_313 : i32
      %mul3A_315 = arith.constant 80 : i32
      %mul3A_316 = arith.muli %add3A_314, %mul3A_315 : i32
      %add3A_317 = arith.addi %mul3A_61, %mul3A_316 : i32
      %dma_start3A_318 = tpu.memref_slice %arg3[%add3A_317] : memref<320000xi32, #tpu.memory_space<hbm>> -> memref<80xi32, #tpu.memory_space<hbm>>
      %dma_start3A_319 = tpu.memref_slice %arg3[%add3A_317] : memref<320000xi32, #tpu.memory_space<hbm>> -> memref<80xi32, #tpu.memory_space<hbm>>
      tpu.enqueue_dma source(%dma_start3A_319 : memref<80xi32, #tpu.memory_space<hbm>>) target(%arg6 : memref<80xi32, #tpu.memory_space<vmem>>) target_semaphore(%arg19 : memref<!tpu.dma_semaphore, #tpu.memory_space<semaphore_mem>>)
      %dma_start3A_320 = tpu.memref_slice %arg4[%add3A_317] : memref<320000xi32, #tpu.memory_space<hbm>> -> memref<80xi32, #tpu.memory_space<hbm>>
      %dma_start3A_321 = tpu.memref_slice %arg4[%add3A_317] : memref<320000xi32, #tpu.memory_space<hbm>> -> memref<80xi32, #tpu.memory_space<hbm>>
      tpu.enqueue_dma source(%dma_start3A_321 : memref<80xi32, #tpu.memory_space<hbm>>) target(%arg10 : memref<80xi32, #tpu.memory_space<vmem>>) target_semaphore(%arg19 : memref<!tpu.dma_semaphore, #tpu.memory_space<semaphore_mem>>)
      %dma_wait3A_322 = arith.constant 0 : i32
      %dma_wait3A_323 = arith.constant 0 : i32
      %dma_wait3A_324 = tpu.memref_slice %arg18[%dma_wait3A_322, %dma_wait3A_323] : memref<10000x128xf32, #tpu.memory_space<vmem_shared>> -> memref<10000x128xf32, #tpu.memory_space<vmem_shared>>
      tpu.wait_indirect_dma semaphore(%arg28 : memref<!tpu.dma_semaphore, #tpu.memory_space<semaphore_mem>>) src(%arg15 : memref<80x128xf32, #tpu.memory_space<vmem>>) dst(%dma_wait3A_324 : memref<10000x128xf32, #tpu.memory_space<vmem_shared>>)
      %add3A_325 = arith.constant 1 : i32
      %add3A_326 = arith.addi %add3A_257, %add3A_325 : i32
      %mul3A_327 = arith.constant 80 : i32
      %mul3A_328 = arith.muli %add3A_326, %mul3A_327 : i32
      %add3A_329 = arith.addi %mul3A_61, %mul3A_328 : i32
      %dma_start3A_330 = tpu.memref_slice %arg3[%add3A_329] : memref<320000xi32, #tpu.memory_space<hbm>> -> memref<80xi32, #tpu.memory_space<hbm>>
      %dma_start3A_331 = tpu.memref_slice %arg3[%add3A_329] : memref<320000xi32, #tpu.memory_space<hbm>> -> memref<80xi32, #tpu.memory_space<hbm>>
      tpu.enqueue_dma source(%dma_start3A_331 : memref<80xi32, #tpu.memory_space<hbm>>) target(%arg7 : memref<80xi32, #tpu.memory_space<vmem>>) target_semaphore(%arg20 : memref<!tpu.dma_semaphore, #tpu.memory_space<semaphore_mem>>)
      %dma_start3A_332 = tpu.memref_slice %arg4[%add3A_329] : memref<320000xi32, #tpu.memory_space<hbm>> -> memref<80xi32, #tpu.memory_space<hbm>>
      %dma_start3A_333 = tpu.memref_slice %arg4[%add3A_329] : memref<320000xi32, #tpu.memory_space<hbm>> -> memref<80xi32, #tpu.memory_space<hbm>>
      tpu.enqueue_dma source(%dma_start3A_333 : memref<80xi32, #tpu.memory_space<hbm>>) target(%arg11 : memref<80xi32, #tpu.memory_space<vmem>>) target_semaphore(%arg20 : memref<!tpu.dma_semaphore, #tpu.memory_space<semaphore_mem>>)
      %add3A_334 = arith.constant 0 : i32
      %add3A_335 = arith.addi %add3A_257, %add3A_334 : i32
      %mul3A_336 = arith.constant 80 : i32
      %mul3A_337 = arith.muli %add3A_335, %mul3A_336 : i32
      %add3A_338 = arith.addi %mul3A_61, %mul3A_337 : i32
      %dma_wait3A_339 = tpu.memref_slice %arg3[%add3A_338] : memref<320000xi32, #tpu.memory_space<hbm>> -> memref<80xi32, #tpu.memory_space<hbm>>
      %dma_wait3A_340 = tpu.memref_slice %arg3[%add3A_338] : memref<320000xi32, #tpu.memory_space<hbm>> -> memref<80xi32, #tpu.memory_space<hbm>>
      tpu.wait_dma2 semaphore(%arg19 : memref<!tpu.dma_semaphore, #tpu.memory_space<semaphore_mem>>) src(%dma_wait3A_340 : memref<80xi32, #tpu.memory_space<hbm>>) dst(%arg6 : memref<80xi32, #tpu.memory_space<vmem>>)
      %dma_start3A_341 = arith.constant 0 : i32
      %dma_start3A_342 = arith.constant 0 : i32
      %dma_start3A_343 = tpu.memref_slice %arg2[%dma_start3A_341, %dma_start3A_342] : memref<10000x128xf32, #tpu.memory_space<hbm>> -> memref<10000x128xf32, #tpu.memory_space<hbm>>
      tpu.enqueue_indirect_dma source(%dma_start3A_343 : memref<10000x128xf32, #tpu.memory_space<hbm>>) target(%arg14 : memref<80x128xf32, #tpu.memory_space<vmem>>) offsets(%arg6 : memref<80xi32, #tpu.memory_space<vmem>>) semaphore(%arg23 : memref<!tpu.dma_semaphore, #tpu.memory_space<semaphore_mem>>)
      %add3A_344 = arith.constant 1 : i32
      %add3A_345 = arith.addi %add3A_257, %add3A_344 : i32
      %mul3A_346 = arith.constant 80 : i32
      %mul3A_347 = arith.muli %add3A_345, %mul3A_346 : i32
      %add3A_348 = arith.addi %mul3A_61, %mul3A_347 : i32
      %dma_wait3A_349 = tpu.memref_slice %arg3[%add3A_348] : memref<320000xi32, #tpu.memory_space<hbm>> -> memref<80xi32, #tpu.memory_space<hbm>>
      %dma_wait3A_350 = tpu.memref_slice %arg3[%add3A_348] : memref<320000xi32, #tpu.memory_space<hbm>> -> memref<80xi32, #tpu.memory_space<hbm>>
      tpu.wait_dma2 semaphore(%arg20 : memref<!tpu.dma_semaphore, #tpu.memory_space<semaphore_mem>>) src(%dma_wait3A_350 : memref<80xi32, #tpu.memory_space<hbm>>) dst(%arg7 : memref<80xi32, #tpu.memory_space<vmem>>)
      %dma_start3A_351 = arith.constant 0 : i32
      %dma_start3A_352 = arith.constant 0 : i32
      %dma_start3A_353 = tpu.memref_slice %arg2[%dma_start3A_351, %dma_start3A_352] : memref<10000x128xf32, #tpu.memory_space<hbm>> -> memref<10000x128xf32, #tpu.memory_space<hbm>>
      tpu.enqueue_indirect_dma source(%dma_start3A_353 : memref<10000x128xf32, #tpu.memory_space<hbm>>) target(%arg15 : memref<80x128xf32, #tpu.memory_space<vmem>>) offsets(%arg7 : memref<80xi32, #tpu.memory_space<vmem>>) semaphore(%arg24 : memref<!tpu.dma_semaphore, #tpu.memory_space<semaphore_mem>>)
      %dma_wait3A_354 = arith.constant 0 : i32
      %dma_wait3A_355 = arith.constant 0 : i32
      %dma_wait3A_356 = tpu.memref_slice %arg18[%dma_wait3A_354, %dma_wait3A_355] : memref<10000x128xf32, #tpu.memory_space<vmem_shared>> -> memref<10000x128xf32, #tpu.memory_space<vmem_shared>>
      tpu.wait_indirect_dma semaphore(%arg29 : memref<!tpu.dma_semaphore, #tpu.memory_space<semaphore_mem>>) src(%arg16 : memref<80x128xf32, #tpu.memory_space<vmem>>) dst(%dma_wait3A_356 : memref<10000x128xf32, #tpu.memory_space<vmem_shared>>)
      %add3A_357 = arith.constant 2 : i32
      %add3A_358 = arith.addi %add3A_257, %add3A_357 : i32
      %mul3A_359 = arith.constant 80 : i32
      %mul3A_360 = arith.muli %add3A_358, %mul3A_359 : i32
      %add3A_361 = arith.addi %mul3A_61, %mul3A_360 : i32
      %dma_start3A_362 = tpu.memref_slice %arg3[%add3A_361] : memref<320000xi32, #tpu.memory_space<hbm>> -> memref<80xi32, #tpu.memory_space<hbm>>
      %dma_start3A_363 = tpu.memref_slice %arg3[%add3A_361] : memref<320000xi32, #tpu.memory_space<hbm>> -> memref<80xi32, #tpu.memory_space<hbm>>
      tpu.enqueue_dma source(%dma_start3A_363 : memref<80xi32, #tpu.memory_space<hbm>>) target(%arg8 : memref<80xi32, #tpu.memory_space<vmem>>) target_semaphore(%arg21 : memref<!tpu.dma_semaphore, #tpu.memory_space<semaphore_mem>>)
      %dma_start3A_364 = tpu.memref_slice %arg4[%add3A_361] : memref<320000xi32, #tpu.memory_space<hbm>> -> memref<80xi32, #tpu.memory_space<hbm>>
      %dma_start3A_365 = tpu.memref_slice %arg4[%add3A_361] : memref<320000xi32, #tpu.memory_space<hbm>> -> memref<80xi32, #tpu.memory_space<hbm>>
      tpu.enqueue_dma source(%dma_start3A_365 : memref<80xi32, #tpu.memory_space<hbm>>) target(%arg12 : memref<80xi32, #tpu.memory_space<vmem>>) target_semaphore(%arg21 : memref<!tpu.dma_semaphore, #tpu.memory_space<semaphore_mem>>)
      %dma_wait3A_366 = arith.constant 0 : i32
      %dma_wait3A_367 = arith.constant 0 : i32
      %dma_wait3A_368 = tpu.memref_slice %arg18[%dma_wait3A_366, %dma_wait3A_367] : memref<10000x128xf32, #tpu.memory_space<vmem_shared>> -> memref<10000x128xf32, #tpu.memory_space<vmem_shared>>
      tpu.wait_indirect_dma semaphore(%arg30 : memref<!tpu.dma_semaphore, #tpu.memory_space<semaphore_mem>>) src(%arg17 : memref<80x128xf32, #tpu.memory_space<vmem>>) dst(%dma_wait3A_368 : memref<10000x128xf32, #tpu.memory_space<vmem_shared>>)
      %add3A_369 = arith.constant 3 : i32
      %add3A_370 = arith.addi %add3A_257, %add3A_369 : i32
      %mul3A_371 = arith.constant 80 : i32
      %mul3A_372 = arith.muli %add3A_370, %mul3A_371 : i32
      %add3A_373 = arith.addi %mul3A_61, %mul3A_372 : i32
      %dma_start3A_374 = tpu.memref_slice %arg3[%add3A_373] : memref<320000xi32, #tpu.memory_space<hbm>> -> memref<80xi32, #tpu.memory_space<hbm>>
      %dma_start3A_375 = tpu.memref_slice %arg3[%add3A_373] : memref<320000xi32, #tpu.memory_space<hbm>> -> memref<80xi32, #tpu.memory_space<hbm>>
      tpu.enqueue_dma source(%dma_start3A_375 : memref<80xi32, #tpu.memory_space<hbm>>) target(%arg9 : memref<80xi32, #tpu.memory_space<vmem>>) target_semaphore(%arg22 : memref<!tpu.dma_semaphore, #tpu.memory_space<semaphore_mem>>)
      %dma_start3A_376 = tpu.memref_slice %arg4[%add3A_373] : memref<320000xi32, #tpu.memory_space<hbm>> -> memref<80xi32, #tpu.memory_space<hbm>>
      %dma_start3A_377 = tpu.memref_slice %arg4[%add3A_373] : memref<320000xi32, #tpu.memory_space<hbm>> -> memref<80xi32, #tpu.memory_space<hbm>>
      tpu.enqueue_dma source(%dma_start3A_377 : memref<80xi32, #tpu.memory_space<hbm>>) target(%arg13 : memref<80xi32, #tpu.memory_space<vmem>>) target_semaphore(%arg22 : memref<!tpu.dma_semaphore, #tpu.memory_space<semaphore_mem>>)
      %add3A_378 = arith.constant 2 : i32
      %add3A_379 = arith.addi %add3A_257, %add3A_378 : i32
      %mul3A_380 = arith.constant 80 : i32
      %mul3A_381 = arith.muli %add3A_379, %mul3A_380 : i32
      %add3A_382 = arith.addi %mul3A_61, %mul3A_381 : i32
      %dma_wait3A_383 = tpu.memref_slice %arg3[%add3A_382] : memref<320000xi32, #tpu.memory_space<hbm>> -> memref<80xi32, #tpu.memory_space<hbm>>
      %dma_wait3A_384 = tpu.memref_slice %arg3[%add3A_382] : memref<320000xi32, #tpu.memory_space<hbm>> -> memref<80xi32, #tpu.memory_space<hbm>>
      tpu.wait_dma2 semaphore(%arg21 : memref<!tpu.dma_semaphore, #tpu.memory_space<semaphore_mem>>) src(%dma_wait3A_384 : memref<80xi32, #tpu.memory_space<hbm>>) dst(%arg8 : memref<80xi32, #tpu.memory_space<vmem>>)
      %dma_start3A_385 = arith.constant 0 : i32
      %dma_start3A_386 = arith.constant 0 : i32
      %dma_start3A_387 = tpu.memref_slice %arg2[%dma_start3A_385, %dma_start3A_386] : memref<10000x128xf32, #tpu.memory_space<hbm>> -> memref<10000x128xf32, #tpu.memory_space<hbm>>
      tpu.enqueue_indirect_dma source(%dma_start3A_387 : memref<10000x128xf32, #tpu.memory_space<hbm>>) target(%arg16 : memref<80x128xf32, #tpu.memory_space<vmem>>) offsets(%arg8 : memref<80xi32, #tpu.memory_space<vmem>>) semaphore(%arg25 : memref<!tpu.dma_semaphore, #tpu.memory_space<semaphore_mem>>)
      %add3A_388 = arith.constant 3 : i32
      %add3A_389 = arith.addi %add3A_257, %add3A_388 : i32
      %mul3A_390 = arith.constant 80 : i32
      %mul3A_391 = arith.muli %add3A_389, %mul3A_390 : i32
      %add3A_392 = arith.addi %mul3A_61, %mul3A_391 : i32
      %dma_wait3A_393 = tpu.memref_slice %arg3[%add3A_392] : memref<320000xi32, #tpu.memory_space<hbm>> -> memref<80xi32, #tpu.memory_space<hbm>>
      %dma_wait3A_394 = tpu.memref_slice %arg3[%add3A_392] : memref<320000xi32, #tpu.memory_space<hbm>> -> memref<80xi32, #tpu.memory_space<hbm>>
      tpu.wait_dma2 semaphore(%arg22 : memref<!tpu.dma_semaphore, #tpu.memory_space<semaphore_mem>>) src(%dma_wait3A_394 : memref<80xi32, #tpu.memory_space<hbm>>) dst(%arg9 : memref<80xi32, #tpu.memory_space<vmem>>)
      %dma_start3A_395 = arith.constant 0 : i32
      %dma_start3A_396 = arith.constant 0 : i32
      %dma_start3A_397 = tpu.memref_slice %arg2[%dma_start3A_395, %dma_start3A_396] : memref<10000x128xf32, #tpu.memory_space<hbm>> -> memref<10000x128xf32, #tpu.memory_space<hbm>>
      tpu.enqueue_indirect_dma source(%dma_start3A_397 : memref<10000x128xf32, #tpu.memory_space<hbm>>) target(%arg17 : memref<80x128xf32, #tpu.memory_space<vmem>>) offsets(%arg9 : memref<80xi32, #tpu.memory_space<vmem>>) semaphore(%arg26 : memref<!tpu.dma_semaphore, #tpu.memory_space<semaphore_mem>>)
    }
    %scan3A_117 = arith.constant 30 : i32
    %add3A_118 = arith.constant 9600 : i32
    %add3A_119 = arith.addi %mul3A_61, %add3A_118 : i32
    %dma_wait3A_120 = arith.constant 0 : i32
    %dma_wait3A_121 = arith.constant 0 : i32
    %dma_wait3A_122 = tpu.memref_slice %arg2[%dma_wait3A_120, %dma_wait3A_121] : memref<10000x128xf32, #tpu.memory_space<hbm>> -> memref<10000x128xf32, #tpu.memory_space<hbm>>
    tpu.wait_indirect_dma semaphore(%arg23 : memref<!tpu.dma_semaphore, #tpu.memory_space<semaphore_mem>>) src(%dma_wait3A_122 : memref<10000x128xf32, #tpu.memory_space<hbm>>) dst(%arg14 : memref<80x128xf32, #tpu.memory_space<vmem>>)
    %dma_wait3A_123 = tpu.memref_slice %arg4[%add3A_119] : memref<320000xi32, #tpu.memory_space<hbm>> -> memref<80xi32, #tpu.memory_space<hbm>>
    %dma_wait3A_124 = tpu.memref_slice %arg4[%add3A_119] : memref<320000xi32, #tpu.memory_space<hbm>> -> memref<80xi32, #tpu.memory_space<hbm>>
    tpu.wait_dma2 semaphore(%arg19 : memref<!tpu.dma_semaphore, #tpu.memory_space<semaphore_mem>>) src(%dma_wait3A_124 : memref<80xi32, #tpu.memory_space<hbm>>) dst(%arg10 : memref<80xi32, #tpu.memory_space<vmem>>)
    %dma_start3A_125 = arith.constant 0 : i32
    %dma_start3A_126 = arith.constant 0 : i32
    %dma_start3A_127 = tpu.memref_slice %arg18[%dma_start3A_125, %dma_start3A_126] : memref<10000x128xf32, #tpu.memory_space<vmem_shared>> -> memref<10000x128xf32, #tpu.memory_space<vmem_shared>>
    tpu.enqueue_indirect_dma source(%arg14 : memref<80x128xf32, #tpu.memory_space<vmem>>) target(%dma_start3A_127 : memref<10000x128xf32, #tpu.memory_space<vmem_shared>>) offsets(%arg10 : memref<80xi32, #tpu.memory_space<vmem>>) semaphore(%arg27 : memref<!tpu.dma_semaphore, #tpu.memory_space<semaphore_mem>>) {add = true}
    %add3A_128 = arith.constant 9680 : i32
    %add3A_129 = arith.addi %mul3A_61, %add3A_128 : i32
    %dma_wait3A_130 = arith.constant 0 : i32
    %dma_wait3A_131 = arith.constant 0 : i32
    %dma_wait3A_132 = tpu.memref_slice %arg2[%dma_wait3A_130, %dma_wait3A_131] : memref<10000x128xf32, #tpu.memory_space<hbm>> -> memref<10000x128xf32, #tpu.memory_space<hbm>>
    tpu.wait_indirect_dma semaphore(%arg24 : memref<!tpu.dma_semaphore, #tpu.memory_space<semaphore_mem>>) src(%dma_wait3A_132 : memref<10000x128xf32, #tpu.memory_space<hbm>>) dst(%arg15 : memref<80x128xf32, #tpu.memory_space<vmem>>)
    %dma_wait3A_133 = tpu.memref_slice %arg4[%add3A_129] : memref<320000xi32, #tpu.memory_space<hbm>> -> memref<80xi32, #tpu.memory_space<hbm>>
    %dma_wait3A_134 = tpu.memref_slice %arg4[%add3A_129] : memref<320000xi32, #tpu.memory_space<hbm>> -> memref<80xi32, #tpu.memory_space<hbm>>
    tpu.wait_dma2 semaphore(%arg20 : memref<!tpu.dma_semaphore, #tpu.memory_space<semaphore_mem>>) src(%dma_wait3A_134 : memref<80xi32, #tpu.memory_space<hbm>>) dst(%arg11 : memref<80xi32, #tpu.memory_space<vmem>>)
    %dma_start3A_135 = arith.constant 0 : i32
    %dma_start3A_136 = arith.constant 0 : i32
    %dma_start3A_137 = tpu.memref_slice %arg18[%dma_start3A_135, %dma_start3A_136] : memref<10000x128xf32, #tpu.memory_space<vmem_shared>> -> memref<10000x128xf32, #tpu.memory_space<vmem_shared>>
    tpu.enqueue_indirect_dma source(%arg15 : memref<80x128xf32, #tpu.memory_space<vmem>>) target(%dma_start3A_137 : memref<10000x128xf32, #tpu.memory_space<vmem_shared>>) offsets(%arg11 : memref<80xi32, #tpu.memory_space<vmem>>) semaphore(%arg28 : memref<!tpu.dma_semaphore, #tpu.memory_space<semaphore_mem>>) {add = true}
    %add3A_138 = arith.constant 9760 : i32
    %add3A_139 = arith.addi %mul3A_61, %add3A_138 : i32
    %dma_wait3A_140 = arith.constant 0 : i32
    %dma_wait3A_141 = arith.constant 0 : i32
    %dma_wait3A_142 = tpu.memref_slice %arg2[%dma_wait3A_140, %dma_wait3A_141] : memref<10000x128xf32, #tpu.memory_space<hbm>> -> memref<10000x128xf32, #tpu.memory_space<hbm>>
    tpu.wait_indirect_dma semaphore(%arg25 : memref<!tpu.dma_semaphore, #tpu.memory_space<semaphore_mem>>) src(%dma_wait3A_142 : memref<10000x128xf32, #tpu.memory_space<hbm>>) dst(%arg16 : memref<80x128xf32, #tpu.memory_space<vmem>>)
    %dma_wait3A_143 = tpu.memref_slice %arg4[%add3A_139] : memref<320000xi32, #tpu.memory_space<hbm>> -> memref<80xi32, #tpu.memory_space<hbm>>
    %dma_wait3A_144 = tpu.memref_slice %arg4[%add3A_139] : memref<320000xi32, #tpu.memory_space<hbm>> -> memref<80xi32, #tpu.memory_space<hbm>>
    tpu.wait_dma2 semaphore(%arg21 : memref<!tpu.dma_semaphore, #tpu.memory_space<semaphore_mem>>) src(%dma_wait3A_144 : memref<80xi32, #tpu.memory_space<hbm>>) dst(%arg12 : memref<80xi32, #tpu.memory_space<vmem>>)
    %dma_start3A_145 = arith.constant 0 : i32
    %dma_start3A_146 = arith.constant 0 : i32
    %dma_start3A_147 = tpu.memref_slice %arg18[%dma_start3A_145, %dma_start3A_146] : memref<10000x128xf32, #tpu.memory_space<vmem_shared>> -> memref<10000x128xf32, #tpu.memory_space<vmem_shared>>
    tpu.enqueue_indirect_dma source(%arg16 : memref<80x128xf32, #tpu.memory_space<vmem>>) target(%dma_start3A_147 : memref<10000x128xf32, #tpu.memory_space<vmem_shared>>) offsets(%arg12 : memref<80xi32, #tpu.memory_space<vmem>>) semaphore(%arg29 : memref<!tpu.dma_semaphore, #tpu.memory_space<semaphore_mem>>) {add = true}
    %add3A_148 = arith.constant 9840 : i32
    %add3A_149 = arith.addi %mul3A_61, %add3A_148 : i32
    %dma_wait3A_150 = arith.constant 0 : i32
    %dma_wait3A_151 = arith.constant 0 : i32
    %dma_wait3A_152 = tpu.memref_slice %arg2[%dma_wait3A_150, %dma_wait3A_151] : memref<10000x128xf32, #tpu.memory_space<hbm>> -> memref<10000x128xf32, #tpu.memory_space<hbm>>
    tpu.wait_indirect_dma semaphore(%arg26 : memref<!tpu.dma_semaphore, #tpu.memory_space<semaphore_mem>>) src(%dma_wait3A_152 : memref<10000x128xf32, #tpu.memory_space<hbm>>) dst(%arg17 : memref<80x128xf32, #tpu.memory_space<vmem>>)
    %dma_wait3A_153 = tpu.memref_slice %arg4[%add3A_149] : memref<320000xi32, #tpu.memory_space<hbm>> -> memref<80xi32, #tpu.memory_space<hbm>>
    %dma_wait3A_154 = tpu.memref_slice %arg4[%add3A_149] : memref<320000xi32, #tpu.memory_space<hbm>> -> memref<80xi32, #tpu.memory_space<hbm>>
    tpu.wait_dma2 semaphore(%arg22 : memref<!tpu.dma_semaphore, #tpu.memory_space<semaphore_mem>>) src(%dma_wait3A_154 : memref<80xi32, #tpu.memory_space<hbm>>) dst(%arg13 : memref<80xi32, #tpu.memory_space<vmem>>)
    %dma_start3A_155 = arith.constant 0 : i32
    %dma_start3A_156 = arith.constant 0 : i32
    %dma_start3A_157 = tpu.memref_slice %arg18[%dma_start3A_155, %dma_start3A_156] : memref<10000x128xf32, #tpu.memory_space<vmem_shared>> -> memref<10000x128xf32, #tpu.memory_space<vmem_shared>>
    tpu.enqueue_indirect_dma source(%arg17 : memref<80x128xf32, #tpu.memory_space<vmem>>) target(%dma_start3A_157 : memref<10000x128xf32, #tpu.memory_space<vmem_shared>>) offsets(%arg13 : memref<80xi32, #tpu.memory_space<vmem>>) semaphore(%arg30 : memref<!tpu.dma_semaphore, #tpu.memory_space<semaphore_mem>>) {add = true}
    %dma_wait3A_158 = arith.constant 0 : i32
    %dma_wait3A_159 = arith.constant 0 : i32
    %dma_wait3A_160 = tpu.memref_slice %arg18[%dma_wait3A_158, %dma_wait3A_159] : memref<10000x128xf32, #tpu.memory_space<vmem_shared>> -> memref<10000x128xf32, #tpu.memory_space<vmem_shared>>
    tpu.wait_indirect_dma semaphore(%arg27 : memref<!tpu.dma_semaphore, #tpu.memory_space<semaphore_mem>>) src(%arg14 : memref<80x128xf32, #tpu.memory_space<vmem>>) dst(%dma_wait3A_160 : memref<10000x128xf32, #tpu.memory_space<vmem_shared>>)
    %add3A_161 = arith.constant 9920 : i32
    %add3A_162 = arith.addi %mul3A_61, %add3A_161 : i32
    %dma_start3A_163 = tpu.memref_slice %arg3[%add3A_162] : memref<320000xi32, #tpu.memory_space<hbm>> -> memref<80xi32, #tpu.memory_space<hbm>>
    %dma_start3A_164 = tpu.memref_slice %arg3[%add3A_162] : memref<320000xi32, #tpu.memory_space<hbm>> -> memref<80xi32, #tpu.memory_space<hbm>>
    tpu.enqueue_dma source(%dma_start3A_164 : memref<80xi32, #tpu.memory_space<hbm>>) target(%arg6 : memref<80xi32, #tpu.memory_space<vmem>>) target_semaphore(%arg19 : memref<!tpu.dma_semaphore, #tpu.memory_space<semaphore_mem>>)
    %dma_start3A_165 = tpu.memref_slice %arg4[%add3A_162] : memref<320000xi32, #tpu.memory_space<hbm>> -> memref<80xi32, #tpu.memory_space<hbm>>
    %dma_start3A_166 = tpu.memref_slice %arg4[%add3A_162] : memref<320000xi32, #tpu.memory_space<hbm>> -> memref<80xi32, #tpu.memory_space<hbm>>
    tpu.enqueue_dma source(%dma_start3A_166 : memref<80xi32, #tpu.memory_space<hbm>>) target(%arg10 : memref<80xi32, #tpu.memory_space<vmem>>) target_semaphore(%arg19 : memref<!tpu.dma_semaphore, #tpu.memory_space<semaphore_mem>>)
    %add3A_167 = arith.constant 9920 : i32
    %add3A_168 = arith.addi %mul3A_61, %add3A_167 : i32
    %dma_wait3A_169 = tpu.memref_slice %arg3[%add3A_168] : memref<320000xi32, #tpu.memory_space<hbm>> -> memref<80xi32, #tpu.memory_space<hbm>>
    %dma_wait3A_170 = tpu.memref_slice %arg3[%add3A_168] : memref<320000xi32, #tpu.memory_space<hbm>> -> memref<80xi32, #tpu.memory_space<hbm>>
    tpu.wait_dma2 semaphore(%arg19 : memref<!tpu.dma_semaphore, #tpu.memory_space<semaphore_mem>>) src(%dma_wait3A_170 : memref<80xi32, #tpu.memory_space<hbm>>) dst(%arg6 : memref<80xi32, #tpu.memory_space<vmem>>)
    %dma_start3A_171 = arith.constant 0 : i32
    %dma_start3A_172 = arith.constant 0 : i32
    %dma_start3A_173 = tpu.memref_slice %arg2[%dma_start3A_171, %dma_start3A_172] : memref<10000x128xf32, #tpu.memory_space<hbm>> -> memref<10000x128xf32, #tpu.memory_space<hbm>>
    tpu.enqueue_indirect_dma source(%dma_start3A_173 : memref<10000x128xf32, #tpu.memory_space<hbm>>) target(%arg14 : memref<80x128xf32, #tpu.memory_space<vmem>>) offsets(%arg6 : memref<80xi32, #tpu.memory_space<vmem>>) semaphore(%arg23 : memref<!tpu.dma_semaphore, #tpu.memory_space<semaphore_mem>>)
    %add3A_174 = arith.constant 9920 : i32
    %add3A_175 = arith.addi %mul3A_61, %add3A_174 : i32
    %dma_wait3A_176 = arith.constant 0 : i32
    %dma_wait3A_177 = arith.constant 0 : i32
    %dma_wait3A_178 = tpu.memref_slice %arg2[%dma_wait3A_176, %dma_wait3A_177] : memref<10000x128xf32, #tpu.memory_space<hbm>> -> memref<10000x128xf32, #tpu.memory_space<hbm>>
    tpu.wait_indirect_dma semaphore(%arg23 : memref<!tpu.dma_semaphore, #tpu.memory_space<semaphore_mem>>) src(%dma_wait3A_178 : memref<10000x128xf32, #tpu.memory_space<hbm>>) dst(%arg14 : memref<80x128xf32, #tpu.memory_space<vmem>>)
    %dma_wait3A_179 = tpu.memref_slice %arg4[%add3A_175] : memref<320000xi32, #tpu.memory_space<hbm>> -> memref<80xi32, #tpu.memory_space<hbm>>
    %dma_wait3A_180 = tpu.memref_slice %arg4[%add3A_175] : memref<320000xi32, #tpu.memory_space<hbm>> -> memref<80xi32, #tpu.memory_space<hbm>>
    tpu.wait_dma2 semaphore(%arg19 : memref<!tpu.dma_semaphore, #tpu.memory_space<semaphore_mem>>) src(%dma_wait3A_180 : memref<80xi32, #tpu.memory_space<hbm>>) dst(%arg10 : memref<80xi32, #tpu.memory_space<vmem>>)
    %dma_start3A_181 = arith.constant 0 : i32
    %dma_start3A_182 = arith.constant 0 : i32
    %dma_start3A_183 = tpu.memref_slice %arg18[%dma_start3A_181, %dma_start3A_182] : memref<10000x128xf32, #tpu.memory_space<vmem_shared>> -> memref<10000x128xf32, #tpu.memory_space<vmem_shared>>
    tpu.enqueue_indirect_dma source(%arg14 : memref<80x128xf32, #tpu.memory_space<vmem>>) target(%dma_start3A_183 : memref<10000x128xf32, #tpu.memory_space<vmem_shared>>) offsets(%arg10 : memref<80xi32, #tpu.memory_space<vmem>>) semaphore(%arg27 : memref<!tpu.dma_semaphore, #tpu.memory_space<semaphore_mem>>) {add = true}
    %dma_wait3A_184 = arith.constant 0 : i32
    %dma_wait3A_185 = arith.constant 0 : i32
    %dma_wait3A_186 = tpu.memref_slice %arg18[%dma_wait3A_184, %dma_wait3A_185] : memref<10000x128xf32, #tpu.memory_space<vmem_shared>> -> memref<10000x128xf32, #tpu.memory_space<vmem_shared>>
    tpu.wait_indirect_dma semaphore(%arg28 : memref<!tpu.dma_semaphore, #tpu.memory_space<semaphore_mem>>) src(%arg15 : memref<80x128xf32, #tpu.memory_space<vmem>>) dst(%dma_wait3A_186 : memref<10000x128xf32, #tpu.memory_space<vmem_shared>>)
    %dma_wait3A_187 = arith.constant 0 : i32
    %dma_wait3A_188 = arith.constant 0 : i32
    %dma_wait3A_189 = tpu.memref_slice %arg18[%dma_wait3A_187, %dma_wait3A_188] : memref<10000x128xf32, #tpu.memory_space<vmem_shared>> -> memref<10000x128xf32, #tpu.memory_space<vmem_shared>>
    tpu.wait_indirect_dma semaphore(%arg29 : memref<!tpu.dma_semaphore, #tpu.memory_space<semaphore_mem>>) src(%arg16 : memref<80x128xf32, #tpu.memory_space<vmem>>) dst(%dma_wait3A_189 : memref<10000x128xf32, #tpu.memory_space<vmem_shared>>)
    %dma_wait3A_190 = arith.constant 0 : i32
    %dma_wait3A_191 = arith.constant 0 : i32
    %dma_wait3A_192 = tpu.memref_slice %arg18[%dma_wait3A_190, %dma_wait3A_191] : memref<10000x128xf32, #tpu.memory_space<vmem_shared>> -> memref<10000x128xf32, #tpu.memory_space<vmem_shared>>
    tpu.wait_indirect_dma semaphore(%arg30 : memref<!tpu.dma_semaphore, #tpu.memory_space<semaphore_mem>>) src(%arg17 : memref<80x128xf32, #tpu.memory_space<vmem>>) dst(%dma_wait3A_192 : memref<10000x128xf32, #tpu.memory_space<vmem_shared>>)
    %dma_wait3A_193 = arith.constant 0 : i32
    %dma_wait3A_194 = arith.constant 0 : i32
    %dma_wait3A_195 = tpu.memref_slice %arg18[%dma_wait3A_193, %dma_wait3A_194] : memref<10000x128xf32, #tpu.memory_space<vmem_shared>> -> memref<10000x128xf32, #tpu.memory_space<vmem_shared>>
    tpu.wait_indirect_dma semaphore(%arg27 : memref<!tpu.dma_semaphore, #tpu.memory_space<semaphore_mem>>) src(%arg14 : memref<80x128xf32, #tpu.memory_space<vmem>>) dst(%dma_wait3A_195 : memref<10000x128xf32, #tpu.memory_space<vmem_shared>>)
    %barrier3A_196 = arith.constant 0 : index
    tpu.barrier barrier_id(%barrier3A_196)
    %add3A_197 = arith.constant 0 : i32
    %add3A_198 = arith.addi %add3A_197, %arg1 : i32
    %lt3A_199 = arith.constant 125 : i32
    %lt3A_200 = arith.cmpi slt, %add3A_198, %lt3A_199 : i32
    %convert_element_type3A_201 = arith.extui %lt3A_200 : i1 to i32
    %cond3A_202 = arith.constant 0 : i32
    %cond3A_203 = arith.cmpi ne, %convert_element_type3A_201, %cond3A_202 : i32
    scf.if %cond3A_203 {
      %mul3A_253 = arith.constant 80 : i32
      %mul3A_254 = arith.muli %add3A_198, %mul3A_253 : i32
      %multiple_of3A = tpu.assume_multiple %mul3A_254, 8 : i32
      "tpu.region"() ({
        %run_scoped3A = tpu.sem_alloc : memref<!tpu.dma_semaphore, #tpu.memory_space<semaphore_mem>>
        %dma_start3A_255 = arith.constant 0 : i32
        %dma_start3A_256 = tpu.memref_slice %arg5[%arg0, %multiple_of3A, %dma_start3A_255] : memref<2x10000x128xf32, #tpu.memory_space<hbm>> -> memref<1x80x128xf32, #tpu.memory_space<hbm>>
        %dma_start3A_257 = tpu.memref_squeeze %dma_start3A_256 : memref<1x80x128xf32, #tpu.memory_space<hbm>> -> memref<80x128xf32, #tpu.memory_space<hbm>>
        %dma_start3A_258 = arith.constant 0 : i32
        %dma_start3A_259 = tpu.memref_slice %arg18[%multiple_of3A, %dma_start3A_258] : memref<10000x128xf32, #tpu.memory_space<vmem_shared>> -> memref<80x128xf32, #tpu.memory_space<vmem_shared>>
        tpu.enqueue_dma source(%dma_start3A_259 : memref<80x128xf32, #tpu.memory_space<vmem_shared>>) target(%dma_start3A_257 : memref<80x128xf32, #tpu.memory_space<hbm>>) target_semaphore(%run_scoped3A : memref<!tpu.dma_semaphore, #tpu.memory_space<semaphore_mem>>)
        %dma_wait3A_260 = arith.constant 0 : i32
        %dma_wait3A_261 = tpu.memref_slice %arg5[%arg0, %multiple_of3A, %dma_wait3A_260] : memref<2x10000x128xf32, #tpu.memory_space<hbm>> -> memref<1x80x128xf32, #tpu.memory_space<hbm>>
        %dma_wait3A_262 = tpu.memref_squeeze %dma_wait3A_261 : memref<1x80x128xf32, #tpu.memory_space<hbm>> -> memref<80x128xf32, #tpu.memory_space<hbm>>
        %dma_wait3A_263 = arith.constant 0 : i32
        %dma_wait3A_264 = tpu.memref_slice %arg18[%multiple_of3A, %dma_wait3A_263] : memref<10000x128xf32, #tpu.memory_space<vmem_shared>> -> memref<80x128xf32, #tpu.memory_space<vmem_shared>>
        tpu.wait_dma2 semaphore(%run_scoped3A : memref<!tpu.dma_semaphore, #tpu.memory_space<semaphore_mem>>) src(%dma_wait3A_264 : memref<80x128xf32, #tpu.memory_space<vmem_shared>>) dst(%dma_wait3A_262 : memref<80x128xf32, #tpu.memory_space<hbm>>)
        tpu.yield
      }) : () -> ()
    } else {
    }
    %add3A_204 = arith.constant 16 : i32
    %add3A_205 = arith.addi %add3A_204, %arg1 : i32
    %lt3A_206 = arith.constant 125 : i32
    %lt3A_207 = arith.cmpi slt, %add3A_205, %lt3A_206 : i32
    %convert_element_type3A_208 = arith.extui %lt3A_207 : i1 to i32
    %cond3A_209 = arith.constant 0 : i32
    %cond3A_210 = arith.cmpi ne, %convert_element_type3A_208, %cond3A_209 : i32
    scf.if %cond3A_210 {
      %mul3A_253 = arith.constant 80 : i32
      %mul3A_254 = arith.muli %add3A_205, %mul3A_253 : i32
      %multiple_of3A = tpu.assume_multiple %mul3A_254, 8 : i32
      "tpu.region"() ({
        %run_scoped3A = tpu.sem_alloc : memref<!tpu.dma_semaphore, #tpu.memory_space<semaphore_mem>>
        %dma_start3A_255 = arith.constant 0 : i32
        %dma_start3A_256 = tpu.memref_slice %arg5[%arg0, %multiple_of3A, %dma_start3A_255] : memref<2x10000x128xf32, #tpu.memory_space<hbm>> -> memref<1x80x128xf32, #tpu.memory_space<hbm>>
        %dma_start3A_257 = tpu.memref_squeeze %dma_start3A_256 : memref<1x80x128xf32, #tpu.memory_space<hbm>> -> memref<80x128xf32, #tpu.memory_space<hbm>>
        %dma_start3A_258 = arith.constant 0 : i32
        %dma_start3A_259 = tpu.memref_slice %arg18[%multiple_of3A, %dma_start3A_258] : memref<10000x128xf32, #tpu.memory_space<vmem_shared>> -> memref<80x128xf32, #tpu.memory_space<vmem_shared>>
        tpu.enqueue_dma source(%dma_start3A_259 : memref<80x128xf32, #tpu.memory_space<vmem_shared>>) target(%dma_start3A_257 : memref<80x128xf32, #tpu.memory_space<hbm>>) target_semaphore(%run_scoped3A : memref<!tpu.dma_semaphore, #tpu.memory_space<semaphore_mem>>)
        %dma_wait3A_260 = arith.constant 0 : i32
        %dma_wait3A_261 = tpu.memref_slice %arg5[%arg0, %multiple_of3A, %dma_wait3A_260] : memref<2x10000x128xf32, #tpu.memory_space<hbm>> -> memref<1x80x128xf32, #tpu.memory_space<hbm>>
        %dma_wait3A_262 = tpu.memref_squeeze %dma_wait3A_261 : memref<1x80x128xf32, #tpu.memory_space<hbm>> -> memref<80x128xf32, #tpu.memory_space<hbm>>
        %dma_wait3A_263 = arith.constant 0 : i32
        %dma_wait3A_264 = tpu.memref_slice %arg18[%multiple_of3A, %dma_wait3A_263] : memref<10000x128xf32, #tpu.memory_space<vmem_shared>> -> memref<80x128xf32, #tpu.memory_space<vmem_shared>>
        tpu.wait_dma2 semaphore(%run_scoped3A : memref<!tpu.dma_semaphore, #tpu.memory_space<semaphore_mem>>) src(%dma_wait3A_264 : memref<80x128xf32, #tpu.memory_space<vmem_shared>>) dst(%dma_wait3A_262 : memref<80x128xf32, #tpu.memory_space<hbm>>)
        tpu.yield
      }) : () -> ()
    } else {
    }
    %add3A_211 = arith.constant 32 : i32
    %add3A_212 = arith.addi %add3A_211, %arg1 : i32
    %lt3A_213 = arith.constant 125 : i32
    %lt3A_214 = arith.cmpi slt, %add3A_212, %lt3A_213 : i32
    %convert_element_type3A_215 = arith.extui %lt3A_214 : i1 to i32
    %cond3A_216 = arith.constant 0 : i32
    %cond3A_217 = arith.cmpi ne, %convert_element_type3A_215, %cond3A_216 : i32
    scf.if %cond3A_217 {
      %mul3A_253 = arith.constant 80 : i32
      %mul3A_254 = arith.muli %add3A_212, %mul3A_253 : i32
      %multiple_of3A = tpu.assume_multiple %mul3A_254, 8 : i32
      "tpu.region"() ({
        %run_scoped3A = tpu.sem_alloc : memref<!tpu.dma_semaphore, #tpu.memory_space<semaphore_mem>>
        %dma_start3A_255 = arith.constant 0 : i32
        %dma_start3A_256 = tpu.memref_slice %arg5[%arg0, %multiple_of3A, %dma_start3A_255] : memref<2x10000x128xf32, #tpu.memory_space<hbm>> -> memref<1x80x128xf32, #tpu.memory_space<hbm>>
        %dma_start3A_257 = tpu.memref_squeeze %dma_start3A_256 : memref<1x80x128xf32, #tpu.memory_space<hbm>> -> memref<80x128xf32, #tpu.memory_space<hbm>>
        %dma_start3A_258 = arith.constant 0 : i32
        %dma_start3A_259 = tpu.memref_slice %arg18[%multiple_of3A, %dma_start3A_258] : memref<10000x128xf32, #tpu.memory_space<vmem_shared>> -> memref<80x128xf32, #tpu.memory_space<vmem_shared>>
        tpu.enqueue_dma source(%dma_start3A_259 : memref<80x128xf32, #tpu.memory_space<vmem_shared>>) target(%dma_start3A_257 : memref<80x128xf32, #tpu.memory_space<hbm>>) target_semaphore(%run_scoped3A : memref<!tpu.dma_semaphore, #tpu.memory_space<semaphore_mem>>)
        %dma_wait3A_260 = arith.constant 0 : i32
        %dma_wait3A_261 = tpu.memref_slice %arg5[%arg0, %multiple_of3A, %dma_wait3A_260] : memref<2x10000x128xf32, #tpu.memory_space<hbm>> -> memref<1x80x128xf32, #tpu.memory_space<hbm>>
        %dma_wait3A_262 = tpu.memref_squeeze %dma_wait3A_261 : memref<1x80x128xf32, #tpu.memory_space<hbm>> -> memref<80x128xf32, #tpu.memory_space<hbm>>
        %dma_wait3A_263 = arith.constant 0 : i32
        %dma_wait3A_264 = tpu.memref_slice %arg18[%multiple_of3A, %dma_wait3A_263] : memref<10000x128xf32, #tpu.memory_space<vmem_shared>> -> memref<80x128xf32, #tpu.memory_space<vmem_shared>>
        tpu.wait_dma2 semaphore(%run_scoped3A : memref<!tpu.dma_semaphore, #tpu.memory_space<semaphore_mem>>) src(%dma_wait3A_264 : memref<80x128xf32, #tpu.memory_space<vmem_shared>>) dst(%dma_wait3A_262 : memref<80x128xf32, #tpu.memory_space<hbm>>)
        tpu.yield
      }) : () -> ()
    } else {
    }
    %add3A_218 = arith.constant 48 : i32
    %add3A_219 = arith.addi %add3A_218, %arg1 : i32
    %lt3A_220 = arith.constant 125 : i32
    %lt3A_221 = arith.cmpi slt, %add3A_219, %lt3A_220 : i32
    %convert_element_type3A_222 = arith.extui %lt3A_221 : i1 to i32
    %cond3A_223 = arith.constant 0 : i32
    %cond3A_224 = arith.cmpi ne, %convert_element_type3A_222, %cond3A_223 : i32
    scf.if %cond3A_224 {
      %mul3A_253 = arith.constant 80 : i32
      %mul3A_254 = arith.muli %add3A_219, %mul3A_253 : i32
      %multiple_of3A = tpu.assume_multiple %mul3A_254, 8 : i32
      "tpu.region"() ({
        %run_scoped3A = tpu.sem_alloc : memref<!tpu.dma_semaphore, #tpu.memory_space<semaphore_mem>>
        %dma_start3A_255 = arith.constant 0 : i32
        %dma_start3A_256 = tpu.memref_slice %arg5[%arg0, %multiple_of3A, %dma_start3A_255] : memref<2x10000x128xf32, #tpu.memory_space<hbm>> -> memref<1x80x128xf32, #tpu.memory_space<hbm>>
        %dma_start3A_257 = tpu.memref_squeeze %dma_start3A_256 : memref<1x80x128xf32, #tpu.memory_space<hbm>> -> memref<80x128xf32, #tpu.memory_space<hbm>>
        %dma_start3A_258 = arith.constant 0 : i32
        %dma_start3A_259 = tpu.memref_slice %arg18[%multiple_of3A, %dma_start3A_258] : memref<10000x128xf32, #tpu.memory_space<vmem_shared>> -> memref<80x128xf32, #tpu.memory_space<vmem_shared>>
        tpu.enqueue_dma source(%dma_start3A_259 : memref<80x128xf32, #tpu.memory_space<vmem_shared>>) target(%dma_start3A_257 : memref<80x128xf32, #tpu.memory_space<hbm>>) target_semaphore(%run_scoped3A : memref<!tpu.dma_semaphore, #tpu.memory_space<semaphore_mem>>)
        %dma_wait3A_260 = arith.constant 0 : i32
        %dma_wait3A_261 = tpu.memref_slice %arg5[%arg0, %multiple_of3A, %dma_wait3A_260] : memref<2x10000x128xf32, #tpu.memory_space<hbm>> -> memref<1x80x128xf32, #tpu.memory_space<hbm>>
        %dma_wait3A_262 = tpu.memref_squeeze %dma_wait3A_261 : memref<1x80x128xf32, #tpu.memory_space<hbm>> -> memref<80x128xf32, #tpu.memory_space<hbm>>
        %dma_wait3A_263 = arith.constant 0 : i32
        %dma_wait3A_264 = tpu.memref_slice %arg18[%multiple_of3A, %dma_wait3A_263] : memref<10000x128xf32, #tpu.memory_space<vmem_shared>> -> memref<80x128xf32, #tpu.memory_space<vmem_shared>>
        tpu.wait_dma2 semaphore(%run_scoped3A : memref<!tpu.dma_semaphore, #tpu.memory_space<semaphore_mem>>) src(%dma_wait3A_264 : memref<80x128xf32, #tpu.memory_space<vmem_shared>>) dst(%dma_wait3A_262 : memref<80x128xf32, #tpu.memory_space<hbm>>)
        tpu.yield
      }) : () -> ()
    } else {
    }
    %add3A_225 = arith.constant 64 : i32
    %add3A_226 = arith.addi %add3A_225, %arg1 : i32
    %lt3A_227 = arith.constant 125 : i32
    %lt3A_228 = arith.cmpi slt, %add3A_226, %lt3A_227 : i32
    %convert_element_type3A_229 = arith.extui %lt3A_228 : i1 to i32
    %cond3A_230 = arith.constant 0 : i32
    %cond3A_231 = arith.cmpi ne, %convert_element_type3A_229, %cond3A_230 : i32
    scf.if %cond3A_231 {
      %mul3A_253 = arith.constant 80 : i32
      %mul3A_254 = arith.muli %add3A_226, %mul3A_253 : i32
      %multiple_of3A = tpu.assume_multiple %mul3A_254, 8 : i32
      "tpu.region"() ({
        %run_scoped3A = tpu.sem_alloc : memref<!tpu.dma_semaphore, #tpu.memory_space<semaphore_mem>>
        %dma_start3A_255 = arith.constant 0 : i32
        %dma_start3A_256 = tpu.memref_slice %arg5[%arg0, %multiple_of3A, %dma_start3A_255] : memref<2x10000x128xf32, #tpu.memory_space<hbm>> -> memref<1x80x128xf32, #tpu.memory_space<hbm>>
        %dma_start3A_257 = tpu.memref_squeeze %dma_start3A_256 : memref<1x80x128xf32, #tpu.memory_space<hbm>> -> memref<80x128xf32, #tpu.memory_space<hbm>>
        %dma_start3A_258 = arith.constant 0 : i32
        %dma_start3A_259 = tpu.memref_slice %arg18[%multiple_of3A, %dma_start3A_258] : memref<10000x128xf32, #tpu.memory_space<vmem_shared>> -> memref<80x128xf32, #tpu.memory_space<vmem_shared>>
        tpu.enqueue_dma source(%dma_start3A_259 : memref<80x128xf32, #tpu.memory_space<vmem_shared>>) target(%dma_start3A_257 : memref<80x128xf32, #tpu.memory_space<hbm>>) target_semaphore(%run_scoped3A : memref<!tpu.dma_semaphore, #tpu.memory_space<semaphore_mem>>)
        %dma_wait3A_260 = arith.constant 0 : i32
        %dma_wait3A_261 = tpu.memref_slice %arg5[%arg0, %multiple_of3A, %dma_wait3A_260] : memref<2x10000x128xf32, #tpu.memory_space<hbm>> -> memref<1x80x128xf32, #tpu.memory_space<hbm>>
        %dma_wait3A_262 = tpu.memref_squeeze %dma_wait3A_261 : memref<1x80x128xf32, #tpu.memory_space<hbm>> -> memref<80x128xf32, #tpu.memory_space<hbm>>
        %dma_wait3A_263 = arith.constant 0 : i32
        %dma_wait3A_264 = tpu.memref_slice %arg18[%multiple_of3A, %dma_wait3A_263] : memref<10000x128xf32, #tpu.memory_space<vmem_shared>> -> memref<80x128xf32, #tpu.memory_space<vmem_shared>>
        tpu.wait_dma2 semaphore(%run_scoped3A : memref<!tpu.dma_semaphore, #tpu.memory_space<semaphore_mem>>) src(%dma_wait3A_264 : memref<80x128xf32, #tpu.memory_space<vmem_shared>>) dst(%dma_wait3A_262 : memref<80x128xf32, #tpu.memory_space<hbm>>)
        tpu.yield
      }) : () -> ()
    } else {
    }
    %add3A_232 = arith.constant 80 : i32
    %add3A_233 = arith.addi %add3A_232, %arg1 : i32
    %lt3A_234 = arith.constant 125 : i32
    %lt3A_235 = arith.cmpi slt, %add3A_233, %lt3A_234 : i32
    %convert_element_type3A_236 = arith.extui %lt3A_235 : i1 to i32
    %cond3A_237 = arith.constant 0 : i32
    %cond3A_238 = arith.cmpi ne, %convert_element_type3A_236, %cond3A_237 : i32
    scf.if %cond3A_238 {
      %mul3A_253 = arith.constant 80 : i32
      %mul3A_254 = arith.muli %add3A_233, %mul3A_253 : i32
      %multiple_of3A = tpu.assume_multiple %mul3A_254, 8 : i32
      "tpu.region"() ({
        %run_scoped3A = tpu.sem_alloc : memref<!tpu.dma_semaphore, #tpu.memory_space<semaphore_mem>>
        %dma_start3A_255 = arith.constant 0 : i32
        %dma_start3A_256 = tpu.memref_slice %arg5[%arg0, %multiple_of3A, %dma_start3A_255] : memref<2x10000x128xf32, #tpu.memory_space<hbm>> -> memref<1x80x128xf32, #tpu.memory_space<hbm>>
        %dma_start3A_257 = tpu.memref_squeeze %dma_start3A_256 : memref<1x80x128xf32, #tpu.memory_space<hbm>> -> memref<80x128xf32, #tpu.memory_space<hbm>>
        %dma_start3A_258 = arith.constant 0 : i32
        %dma_start3A_259 = tpu.memref_slice %arg18[%multiple_of3A, %dma_start3A_258] : memref<10000x128xf32, #tpu.memory_space<vmem_shared>> -> memref<80x128xf32, #tpu.memory_space<vmem_shared>>
        tpu.enqueue_dma source(%dma_start3A_259 : memref<80x128xf32, #tpu.memory_space<vmem_shared>>) target(%dma_start3A_257 : memref<80x128xf32, #tpu.memory_space<hbm>>) target_semaphore(%run_scoped3A : memref<!tpu.dma_semaphore, #tpu.memory_space<semaphore_mem>>)
        %dma_wait3A_260 = arith.constant 0 : i32
        %dma_wait3A_261 = tpu.memref_slice %arg5[%arg0, %multiple_of3A, %dma_wait3A_260] : memref<2x10000x128xf32, #tpu.memory_space<hbm>> -> memref<1x80x128xf32, #tpu.memory_space<hbm>>
        %dma_wait3A_262 = tpu.memref_squeeze %dma_wait3A_261 : memref<1x80x128xf32, #tpu.memory_space<hbm>> -> memref<80x128xf32, #tpu.memory_space<hbm>>
        %dma_wait3A_263 = arith.constant 0 : i32
        %dma_wait3A_264 = tpu.memref_slice %arg18[%multiple_of3A, %dma_wait3A_263] : memref<10000x128xf32, #tpu.memory_space<vmem_shared>> -> memref<80x128xf32, #tpu.memory_space<vmem_shared>>
        tpu.wait_dma2 semaphore(%run_scoped3A : memref<!tpu.dma_semaphore, #tpu.memory_space<semaphore_mem>>) src(%dma_wait3A_264 : memref<80x128xf32, #tpu.memory_space<vmem_shared>>) dst(%dma_wait3A_262 : memref<80x128xf32, #tpu.memory_space<hbm>>)
        tpu.yield
      }) : () -> ()
    } else {
    }
    %add3A_239 = arith.constant 96 : i32
    %add3A_240 = arith.addi %add3A_239, %arg1 : i32
    %lt3A_241 = arith.constant 125 : i32
    %lt3A_242 = arith.cmpi slt, %add3A_240, %lt3A_241 : i32
    %convert_element_type3A_243 = arith.extui %lt3A_242 : i1 to i32
    %cond3A_244 = arith.constant 0 : i32
    %cond3A_245 = arith.cmpi ne, %convert_element_type3A_243, %cond3A_244 : i32
    scf.if %cond3A_245 {
      %mul3A_253 = arith.constant 80 : i32
      %mul3A_254 = arith.muli %add3A_240, %mul3A_253 : i32
      %multiple_of3A = tpu.assume_multiple %mul3A_254, 8 : i32
      "tpu.region"() ({
        %run_scoped3A = tpu.sem_alloc : memref<!tpu.dma_semaphore, #tpu.memory_space<semaphore_mem>>
        %dma_start3A_255 = arith.constant 0 : i32
        %dma_start3A_256 = tpu.memref_slice %arg5[%arg0, %multiple_of3A, %dma_start3A_255] : memref<2x10000x128xf32, #tpu.memory_space<hbm>> -> memref<1x80x128xf32, #tpu.memory_space<hbm>>
        %dma_start3A_257 = tpu.memref_squeeze %dma_start3A_256 : memref<1x80x128xf32, #tpu.memory_space<hbm>> -> memref<80x128xf32, #tpu.memory_space<hbm>>
        %dma_start3A_258 = arith.constant 0 : i32
        %dma_start3A_259 = tpu.memref_slice %arg18[%multiple_of3A, %dma_start3A_258] : memref<10000x128xf32, #tpu.memory_space<vmem_shared>> -> memref<80x128xf32, #tpu.memory_space<vmem_shared>>
        tpu.enqueue_dma source(%dma_start3A_259 : memref<80x128xf32, #tpu.memory_space<vmem_shared>>) target(%dma_start3A_257 : memref<80x128xf32, #tpu.memory_space<hbm>>) target_semaphore(%run_scoped3A : memref<!tpu.dma_semaphore, #tpu.memory_space<semaphore_mem>>)
        %dma_wait3A_260 = arith.constant 0 : i32
        %dma_wait3A_261 = tpu.memref_slice %arg5[%arg0, %multiple_of3A, %dma_wait3A_260] : memref<2x10000x128xf32, #tpu.memory_space<hbm>> -> memref<1x80x128xf32, #tpu.memory_space<hbm>>
        %dma_wait3A_262 = tpu.memref_squeeze %dma_wait3A_261 : memref<1x80x128xf32, #tpu.memory_space<hbm>> -> memref<80x128xf32, #tpu.memory_space<hbm>>
        %dma_wait3A_263 = arith.constant 0 : i32
        %dma_wait3A_264 = tpu.memref_slice %arg18[%multiple_of3A, %dma_wait3A_263] : memref<10000x128xf32, #tpu.memory_space<vmem_shared>> -> memref<80x128xf32, #tpu.memory_space<vmem_shared>>
        tpu.wait_dma2 semaphore(%run_scoped3A : memref<!tpu.dma_semaphore, #tpu.memory_space<semaphore_mem>>) src(%dma_wait3A_264 : memref<80x128xf32, #tpu.memory_space<vmem_shared>>) dst(%dma_wait3A_262 : memref<80x128xf32, #tpu.memory_space<hbm>>)
        tpu.yield
      }) : () -> ()
    } else {
    }
    %add3A_246 = arith.constant 112 : i32
    %add3A_247 = arith.addi %add3A_246, %arg1 : i32
    %lt3A_248 = arith.constant 125 : i32
    %lt3A_249 = arith.cmpi slt, %add3A_247, %lt3A_248 : i32
    %convert_element_type3A_250 = arith.extui %lt3A_249 : i1 to i32
    %cond3A_251 = arith.constant 0 : i32
    %cond3A_252 = arith.cmpi ne, %convert_element_type3A_250, %cond3A_251 : i32
    scf.if %cond3A_252 {
      %mul3A_253 = arith.constant 80 : i32
      %mul3A_254 = arith.muli %add3A_247, %mul3A_253 : i32
      %multiple_of3A = tpu.assume_multiple %mul3A_254, 8 : i32
      "tpu.region"() ({
        %run_scoped3A = tpu.sem_alloc : memref<!tpu.dma_semaphore, #tpu.memory_space<semaphore_mem>>
        %dma_start3A_255 = arith.constant 0 : i32
        %dma_start3A_256 = tpu.memref_slice %arg5[%arg0, %multiple_of3A, %dma_start3A_255] : memref<2x10000x128xf32, #tpu.memory_space<hbm>> -> memref<1x80x128xf32, #tpu.memory_space<hbm>>
        %dma_start3A_257 = tpu.memref_squeeze %dma_start3A_256 : memref<1x80x128xf32, #tpu.memory_space<hbm>> -> memref<80x128xf32, #tpu.memory_space<hbm>>
        %dma_start3A_258 = arith.constant 0 : i32
        %dma_start3A_259 = tpu.memref_slice %arg18[%multiple_of3A, %dma_start3A_258] : memref<10000x128xf32, #tpu.memory_space<vmem_shared>> -> memref<80x128xf32, #tpu.memory_space<vmem_shared>>
        tpu.enqueue_dma source(%dma_start3A_259 : memref<80x128xf32, #tpu.memory_space<vmem_shared>>) target(%dma_start3A_257 : memref<80x128xf32, #tpu.memory_space<hbm>>) target_semaphore(%run_scoped3A : memref<!tpu.dma_semaphore, #tpu.memory_space<semaphore_mem>>)
        %dma_wait3A_260 = arith.constant 0 : i32
        %dma_wait3A_261 = tpu.memref_slice %arg5[%arg0, %multiple_of3A, %dma_wait3A_260] : memref<2x10000x128xf32, #tpu.memory_space<hbm>> -> memref<1x80x128xf32, #tpu.memory_space<hbm>>
        %dma_wait3A_262 = tpu.memref_squeeze %dma_wait3A_261 : memref<1x80x128xf32, #tpu.memory_space<hbm>> -> memref<80x128xf32, #tpu.memory_space<hbm>>
        %dma_wait3A_263 = arith.constant 0 : i32
        %dma_wait3A_264 = tpu.memref_slice %arg18[%multiple_of3A, %dma_wait3A_263] : memref<10000x128xf32, #tpu.memory_space<vmem_shared>> -> memref<80x128xf32, #tpu.memory_space<vmem_shared>>
        tpu.wait_dma2 semaphore(%run_scoped3A : memref<!tpu.dma_semaphore, #tpu.memory_space<semaphore_mem>>) src(%dma_wait3A_264 : memref<80x128xf32, #tpu.memory_space<vmem_shared>>) dst(%dma_wait3A_262 : memref<80x128xf32, #tpu.memory_space<hbm>>)
        tpu.yield
      }) : () -> ()
    } else {
    }
    return
  }
}

module attributes {stable_mosaic.version = 14 : i64} {
  func.func @_mm1_body(%arg0: i32, %arg1: memref<1000x128xf32, #tpu.memory_space<vmem>>, %arg2: memref<128x128xf32, #tpu.memory_space<vmem>>, %arg3: memref<1x128xf32, #tpu.memory_space<vmem>>, %arg4: memref<1000x128xf32, #tpu.memory_space<vmem>>) attributes {dimension_semantics = [#tpu.dimension_semantics<arbitrary>], iteration_bounds = array<i64: 10>, scalar_prefetch = 0 : i64, scratch_operands = 0 : i64, tpu.core_type = #tpu.core_type<tc>, window_params = [{transform_indices = @transform_0, window_bounds = array<i64: 1000, 128>}, {pipeline_mode = #tpu.pipeline_mode<synchronous>, transform_indices = @transform_1, window_bounds = array<i64: 128, 128>}, {pipeline_mode = #tpu.pipeline_mode<synchronous>, transform_indices = @transform_2, window_bounds = array<i64: 1, 128>}, {transform_indices = @transform_3, window_bounds = array<i64: 1000, 128>}]} {
    %get3A = arith.constant 0 : index
    %get3A_0 = arith.constant 0 : index
    %get3A_1 = vector.load %arg1[%get3A, %get3A_0] : memref<1000x128xf32, #tpu.memory_space<vmem>>, vector<1000x128xf32>
    %get3A_2 = arith.constant 0 : index
    %get3A_3 = arith.constant 0 : index
    %get3A_4 = vector.load %arg2[%get3A_2, %get3A_3] : memref<128x128xf32, #tpu.memory_space<vmem>>, vector<128x128xf32>
    %dot_general3A = arith.constant dense<0.000000e+00> : vector<1000x128xf32>
    %dot_general3A_5 = tpu.matmul %get3A_1, %get3A_4, %dot_general3A {dimension_numbers = #tpu.dot_dimension_numbers<[1], [0], [0], [1], [0, 0, 1, 1], [], []>, transpose_lhs_hint = false} : vector<1000x128xf32>, vector<128x128xf32>, vector<1000x128xf32> -> vector<1000x128xf32>
    %get3A_6 = arith.constant 0 : index
    %get3A_7 = arith.constant 0 : index
    %get3A_8 = vector.load %arg3[%get3A_6, %get3A_7] : memref<1x128xf32, #tpu.memory_space<vmem>>, vector<1x128xf32>
    %add3A = vector.broadcast %get3A_8 : vector<1x128xf32> to vector<1000x128xf32>
    %add3A_9 = arith.addf %dot_general3A_5, %add3A : vector<1000x128xf32>
    %swap3A = arith.constant 0 : index
    %swap3A_10 = arith.constant 0 : index
    %swap3A_11 = vector.load %arg4[%swap3A, %swap3A_10] : memref<1000x128xf32, #tpu.memory_space<vmem>>, vector<1000x128xf32>
    tpu.vector_store %arg4[%swap3A, %swap3A_10], %add3A_9 {strides = array<i32>} : memref<1000x128xf32, #tpu.memory_space<vmem>>, vector<1000x128xf32>,
    return
  }
  func.func @transform_0(%arg0: i32) -> (i32, i32) {
    %c0_i32 = arith.constant 0 : i32
    %c0_i32_0 = arith.constant 0 : i32
    return %arg0, %c0_i32 : i32, i32
  }
  func.func @transform_1(%arg0: i32) -> (i32, i32) {
    %c0_i32 = arith.constant 0 : i32
    %c0_i32_0 = arith.constant 0 : i32
    %c0_i32_1 = arith.constant 0 : i32
    return %c0_i32, %c0_i32_0 : i32, i32
  }
  func.func @transform_2(%arg0: i32) -> (i32, i32) {
    %c0_i32 = arith.constant 0 : i32
    %c0_i32_0 = arith.constant 0 : i32
    %c0_i32_1 = arith.constant 0 : i32
    return %c0_i32, %c0_i32_0 : i32, i32
  }
  func.func @transform_3(%arg0: i32) -> (i32, i32) {
    %c0_i32 = arith.constant 0 : i32
    %c0_i32_0 = arith.constant 0 : i32
    return %arg0, %c0_i32 : i32, i32
  }
}

module attributes {stable_mosaic.version = 14 : i64} {
  func.func @_mm2_body(%arg0: i32, %arg1: memref<1000x128xf32, #tpu.memory_space<vmem>>, %arg2: memref<2x1000x128xf32, #tpu.memory_space<vmem>>, %arg3: memref<128x128xf32, #tpu.memory_space<vmem>>, %arg4: memref<1000x128xf32, #tpu.memory_space<vmem>>) attributes {dimension_semantics = [#tpu.dimension_semantics<arbitrary>], iteration_bounds = array<i64: 10>, scalar_prefetch = 0 : i64, scratch_operands = 0 : i64, tpu.core_type = #tpu.core_type<tc>, window_params = [{transform_indices = @transform_0, window_bounds = array<i64: 1000, 128>}, {transform_indices = @transform_1, window_bounds = array<i64: 2, 1000, 128>}, {pipeline_mode = #tpu.pipeline_mode<synchronous>, transform_indices = @transform_2, window_bounds = array<i64: 128, 128>}, {transform_indices = @transform_3, window_bounds = array<i64: 1000, 128>}]} {
    %get3A = arith.constant 0 : index
    %get3A_0 = arith.constant 0 : index
    %get3A_1 = arith.constant 0 : index
    %get3A_2 = vector.load %arg2[%get3A, %get3A_0, %get3A_1] : memref<2x1000x128xf32, #tpu.memory_space<vmem>>, vector<1x1000x128xf32>
    %get3A_3 = vector.shape_cast %get3A_2 : vector<1x1000x128xf32> to vector<1000x128xf32>
    %get3A_4 = arith.constant 1 : index
    %get3A_5 = arith.constant 0 : index
    %get3A_6 = arith.constant 0 : index
    %get3A_7 = vector.load %arg2[%get3A_4, %get3A_5, %get3A_6] : memref<2x1000x128xf32, #tpu.memory_space<vmem>>, vector<1x1000x128xf32>
    %get3A_8 = vector.shape_cast %get3A_7 : vector<1x1000x128xf32> to vector<1000x128xf32>
    %add3A = arith.addf %get3A_3, %get3A_8 : vector<1000x128xf32>
    %get3A_9 = arith.constant 0 : index
    %get3A_10 = arith.constant 0 : index
    %get3A_11 = vector.load %arg1[%get3A_9, %get3A_10] : memref<1000x128xf32, #tpu.memory_space<vmem>>, vector<1000x128xf32>
    %get3A_12 = arith.constant 0 : index
    %get3A_13 = arith.constant 0 : index
    %get3A_14 = vector.load %arg3[%get3A_12, %get3A_13] : memref<128x128xf32, #tpu.memory_space<vmem>>, vector<128x128xf32>
    %dot_general3A = arith.constant dense<0.000000e+00> : vector<1000x128xf32>
    %dot_general3A_15 = tpu.matmul %add3A, %get3A_14, %dot_general3A {dimension_numbers = #tpu.dot_dimension_numbers<[1], [0], [0], [1], [0, 0, 1, 1], [], []>, transpose_lhs_hint = false} : vector<1000x128xf32>, vector<128x128xf32>, vector<1000x128xf32> -> vector<1000x128xf32>
    %add3A_16 = arith.addf %get3A_11, %dot_general3A_15 : vector<1000x128xf32>
    %swap3A = arith.constant 0 : index
    %swap3A_17 = arith.constant 0 : index
    %swap3A_18 = vector.load %arg4[%swap3A, %swap3A_17] : memref<1000x128xf32, #tpu.memory_space<vmem>>, vector<1000x128xf32>
    tpu.vector_store %arg4[%swap3A, %swap3A_17], %add3A_16 {strides = array<i32>} : memref<1000x128xf32, #tpu.memory_space<vmem>>, vector<1000x128xf32>,
    return
  }
  func.func @transform_0(%arg0: i32) -> (i32, i32) {
    %c0_i32 = arith.constant 0 : i32
    %c0_i32_0 = arith.constant 0 : i32
    return %arg0, %c0_i32 : i32, i32
  }
  func.func @transform_1(%arg0: i32) -> (i32, i32, i32) {
    %c0_i32 = arith.constant 0 : i32
    %c0_i32_0 = arith.constant 0 : i32
    %c0_i32_1 = arith.constant 0 : i32
    return %c0_i32, %arg0, %c0_i32_0 : i32, i32, i32
  }
  func.func @transform_2(%arg0: i32) -> (i32, i32) {
    %c0_i32 = arith.constant 0 : i32
    %c0_i32_0 = arith.constant 0 : i32
    %c0_i32_1 = arith.constant 0 : i32
    return %c0_i32, %c0_i32_0 : i32, i32
  }
  func.func @transform_3(%arg0: i32) -> (i32, i32) {
    %c0_i32 = arith.constant 0 : i32
    %c0_i32_0 = arith.constant 0 : i32
    return %arg0, %c0_i32 : i32, i32
  }
}

</mosaic_0001>

<sc_bundles>
// kernel: kernel.5.cloned.1.call-start
scs
__scs_entry_jumppad:
0x0: {  	(pc) =	sbr.rel $0x88, $3  }
0x1: {  	(tag) =	ssettag $0x0;
	lr =	simm.s32 $0x1  }
0x2: {  	[smem:$0x3F9D] =	sst lr;
	_ =	strace $0xD0000000  }
0x3: {  	_ = 	snop  }
0x4: {  	_ = 	snop  }
0x5: {  	_ = 	snop  }
0x6: {  	_ = 	snop  }
0x7: {  	_ = 	snop  }
__scs_overlays_trampoline_lowered:
0x8: {  	[smem:$0x3FAC] =	sst s0  }
0x9: {  	[smem:$0x3FAD] =	sst s1  }
0xa: {  	[smem:$0x3FAE] =	sst s2  }
0xb: {  	[smem:$0x3FAF] =	sst s3  }
0xc: {  	[smem:$0x3FB0] =	sst s4  }
0xd: {  	[smem:$0x3FB1] =	sst s5  }
0xe: {  	[smem:$0x3FB2] =	sst s6  }
0xf: {  	[smem:$0x3FB3] =	sst s7  }
0x10: {  	[smem:$0x3FB4] =	sst s8  }
0x11: {  	[smem:$0x3FB5] =	sst s9;
	s0 =	simm.s32 @!p0 $0x0  }
0x12: {  	s1 =	sld [smem:$0x3F9B];
	s0 =	simm.s32 @p0 $0x1  }
0x13: {  	[smem:$0x3FB6] =	sst s0;
	s0 =	simm.s32 @!p1 $0x0  }
0x14: {  	s2 =	sld [smem:$0x3F9A];
	s0 =	simm.s32 @p1 $0x1  }
0x15: {  	[smem:$0x3FB7] =	sst s0;
	s0 =	simm.s32 @!p2 $0x0  }
0x16: {  	s3 =	sld [smem:$0x3FDB];
	s0 =	simm.s32 @p2 $0x1  }
0x17: {  	s4 =	simm.s32 $0x1BF5;
	[smem:$0x3FB9] =	sst s0  }
0x18: {  	s0 =	sld [smem:$0x3F9C];
	_ =	swait.ge [sflag:s4], $0x0  }
0x19: {  	s7 =	sld [smem:$0x3F9D]  }
0x1a: {  	s8 =	sadd.s32 $0xFFFFE003, lr  }
0x1b: {  	s9 =	sadd.s32 $0xFFFFFEF7, lr;
	s5 =	simm.s32 $0xFFFFFFFF;
	p2 =	slt.u32 s8, $0xFFFFF086  }
0x1c: {  	p1 =	slt.u32 s9, $0xF7A;
	s5 =	simm.s32 @!p2 $0x0  }
0x1d: {  	s5 =	simm.s32 @p1 $0x1;
	p0 =	seq.s32 s7, s2  }
0x1e: {  	s7 =	smul.u32 @!p0 $0xF7A, s2;
	p2 =	seq.s32 @!p0 s5, $0x0  }
0x1f: {  	s9 =	smul.u32 $0xF7A, s1;
	s8 =	simm.s32 @!p0 $0x1BF5;
	p2 =	por !p2, p0  }
0x20: {  	[sflag:s8] =	ssyncset.s32 @!p0 $0xFFFFF086;
	s6 =	sadd.s32 @!p0 s3, s7;
	s7 =	simm.s32 @!p0 $0x108  }
0x21: {  	s3 =	sadd.s32 s3, s9;
	s6 =	sadd.s32 @!p0 $0x88, s6;
	s7 =	simm.s32 @p2 $0x1082  }
0x22: {  	[simem:s7], [sflag:s8] =	dma.local @!p0 [hbm:s6], $0xF7A  }
0x23: {  	s9 =	sor.u32 $0xD0000000, s2;
	s6 =	simm.s32 $0x108;
	_ =	swait.ge @!p0 [sflag:s8], $0x0  }
0x24: {  	s3 =	sadd.s32 $0x88, s3;
	s6 =	simm.s32 @!p1 $0x1082;
	[sflag:s4] =	ssyncset.s32 $0xFFFFF086  }
0x25: {  	[simem:s6], [sflag:s4] =	dma.local [hbm:s3], $0xF7A  }
0x26: {  	[smem:$0x3F9D] =	sst s1;
	(tag) =	ssettag s2;
	_ =	strace s9  }
0x27: {  	s1 =	sld [smem:$0x3FAD]  }
0x28: {  	s2 =	sld [smem:$0x3FAE]  }
0x29: {  	s4 =	sld [smem:$0x3FB0]  }
0x2a: {  	p0 =	seq.s32 s5, $0x0;
	s5 =	sld [smem:$0x3FB1]  }
0x2b: {  	s6 =	sld [smem:$0x3FB2]  }
0x2c: {  	s7 =	sld [smem:$0x3FB3]  }
0x2d: {  	s3 =	simm.s32 $0x108;
	s8 =	sld [smem:$0x3FB4]  }
0x2e: {  	s3 =	simm.s32 @!p0 $0x1082;
	s9 =	sld [smem:$0x3FB5]  }
0x2f: {  	lr =	sadd.s32 s0, s3;
	s0 =	sld [smem:$0x3FAC]  }
0x30: {  	s3 =	sld [smem:$0x3FAF]  }
0x31: {  	[smem:$0x3FB8] =	sst s10  }
0x32: {  	s10 =	sld [smem:$0x3FB6];
	_ =	sdelay $0x3  }
0x33: {  	p0 =	seq.s32 s10, $0x1;
	s10 =	sld [smem:$0x3FB8];
	_ =	sdelay $0x3  }
0x34: {  	[smem:$0x3FB8] =	sst s10  }
0x35: {  	s10 =	sld [smem:$0x3FB7];
	_ =	sdelay $0x3  }
0x36: {  	p1 =	seq.s32 s10, $0x1;
	s10 =	sld [smem:$0x3FB8];
	_ =	sdelay $0x3  }
0x37: {  	[smem:$0x3FB8] =	sst s10  }
0x38: {  	s10 =	sld [smem:$0x3FB9]  }
0x39: {  	_ = 	snop;
	(pc) =	sbr.ind lr, $3  }
0x3a: {  	_ = 	snop  }
0x3b: {  	_ = 	snop  }
0x3c: {  	p2 =	seq.s32 s10, $0x1;
	s10 =	sld [smem:$0x3FB8]  }
0x3d: {  	_ =	shalt  }
0x3e: {  	_ =	shalt  }
0x3f: {  	_ =	shalt  }
0x40: {  	_ =	shalt  }
0x41: {  	_ =	shalt  }
0x42: {  	_ =	shalt  }
0x43: {  	_ =	shalt  }
0x44: {  	_ =	shalt  }
0x45: {  	_ =	shalt  }
0x46: {  	_ =	shalt  }
0x47: {  	_ =	shalt  }
0x48: {  	_ =	shalt  }
0x49: {  	_ =	shalt  }
0x4a: {  	_ =	shalt  }
0x4b: {  	_ =	shalt  }
0x4c: {  	_ =	shalt  }
0x4d: {  	_ =	shalt  }
0x4e: {  	_ =	shalt  }
0x4f: {  	_ =	shalt  }
0x50: {  	_ =	shalt  }
0x51: {  	_ =	shalt  }
0x52: {  	_ =	shalt  }
0x53: {  	_ =	shalt  }
0x54: {  	_ =	shalt  }
0x55: {  	_ =	shalt  }
0x56: {  	_ =	shalt  }
0x57: {  	_ =	shalt  }
0x58: {  	_ =	shalt  }
0x59: {  	_ =	shalt  }
0x5a: {  	_ =	shalt  }
0x5b: {  	_ =	shalt  }
0x5c: {  	_ =	shalt  }
0x5d: {  	_ =	shalt  }
0x5e: {  	_ =	shalt  }
0x5f: {  	_ =	shalt  }
0x60: {  	_ =	shalt  }
0x61: {  	_ =	shalt  }
0x62: {  	_ =	shalt  }
0x63: {  	_ =	shalt  }
0x64: {  	_ =	shalt  }
0x65: {  	_ =	shalt  }
0x66: {  	_ =	shalt  }
0x67: {  	_ =	shalt  }
0x68: {  	_ =	shalt  }
0x69: {  	_ =	shalt  }
0x6a: {  	_ =	shalt  }
0x6b: {  	_ =	shalt  }
0x6c: {  	_ =	shalt  }
0x6d: {  	_ =	shalt  }
0x6e: {  	_ =	shalt  }
0x6f: {  	_ =	shalt  }
0x70: {  	_ =	shalt  }
0x71: {  	_ =	shalt  }
0x72: {  	_ =	shalt  }
0x73: {  	_ =	shalt  }
0x74: {  	_ =	shalt  }
0x75: {  	_ =	shalt  }
0x76: {  	_ =	shalt  }
0x77: {  	_ =	shalt  }
0x78: {  	_ =	shalt  }
0x79: {  	_ =	shalt  }
0x7a: {  	_ =	shalt  }
0x7b: {  	_ =	shalt  }
0x7c: {  	_ =	shalt  }
0x7d: {  	_ =	shalt  }
0x7e: {  	_ =	shalt  }
0x7f: {  	_ =	shalt  }
0x80: {  	_ =	shalt  }
0x81: {  	_ =	shalt  }
0x82: {  	_ =	shalt  }
0x83: {  	_ =	shalt  }
0x84: {  	_ =	shalt  }
0x85: {  	_ =	shalt  }
0x86: {  	_ =	shalt  }
0x87: {  	_ =	shalt  }
.Lfunc_end0:
.L_simem_size_0:
called_computation_lowered:
.L_overlay_start_0:
0x88: {  	s2 =	sld [smem:$0x3FD9]  }
0x89: {  	s3 =	sld [smem:$0x3FFE];
	_ =	sdelay $0x1  }
0x8a: {  	s1 =	srdreg.scid  }
0x8b: {  	s0 =	sand.u32 $0x1, s1  }
0x8c: {  	s17 =	sshll.u32 s0, $0xA;
	s2 =	sadd.s32 s3, s2  }
0x8d: {  	s2 =	sadd.s32 s2, s17  }
0x8e: {  	[smem:$0x3FC4] =	sst s2  }
0x8f: {  	_ = 	snop  }
0x90: {  	s2 =	sld [smem:$0x3FC9]  }
0x91: {  	s18 =	sld [smem:$0x3FD0];
	(tm) =	ssettm $0x1  }
0x92: {  	s4 =	sld [smem:$0x3FFB];
	_ =	sdelay $0x3  }
0x93: {  	_ =	strace s4  }
0x94: {  	s4 =	sld [smem:$0x3FFC];
	_ =	sdelay $0x3  }
0x95: {  	_ =	strace s4  }
0x96: {  	s4 =	sld [smem:$0x3FFD];
	_ =	sdelay $0x3  }
0x97: {  	_ =	strace s4  }
0x98: {  	_ =	strace $0x8FFFFFFF  }
0x99: {  	s19 =	sld [smem:$0x3FDB];
	_ =	sdelay $0x1  }
0x9a: {  	s5 =	simm.s32 $_scs_section_size  }
0x9b: {  	s6 =	simm.s32 $_size__tile_overlayer_lowered;
	s7 =	simm.s32 $_tile_overlayer_lowered  }
0x9c: {  	s22 =	simm.s32 $0x1BFF;
	s21 =	sshll.u32 s7, $0x1;
	s4 =	sadd.s32 s5, s19  }
0x9d: {  	s8 =	simm.s32 $0x0;
	s20 =	sshll.u32 s6, $0x1;
	s6 =	sadd.s32 s21, s4  }
0x9e: {  	[timem:s8], [sflag:s22] =	dma.local [hbm:s6], s20  }
0x9f: {  	_ =	swait.ge [sflag:s22], s20  }
0xa0: {  	s5 =	ssub.s32 $0x0, s20;
	[sflag:s22] =	ssyncset.done $0x0  }
0xa1: {  	[sflag:s22] =	ssyncadd.s32 s5;
	_ =	sdelay $0x1  }
0xa2: {  	s23 =	simm.s32 $0x1B8B  }
0xa3: {  	_ =	swait.ge [sflag:s23], $0x1  }
0xa4: {  	[sflag:s23] =	ssyncset.done $0x0  }
0xa5: {  	s25 =	simm.s32 $0x1B8E;
	s24 =	sld [smem:$0x3FFE];
	[sflag:s23] =	ssyncadd.s32 $0xFFFFFFFF  }
0xa6: {  	s26 =	simm.s32 $execute0_lowered;
	[smem:$0x3FD2] =	sst s25  }
0xa7: {  	s6 =	sshll.u32 s26, $0x1;
	_ =	strace $0x80000046;
	[dreg:$0x1] =	wrdreg $0xFFFFFFFF  }
0xa8: {  	s28 =	simm.s32 $_size_execute0_lowered;
	s4 =	sadd.s32 s4, s6;
	[dreg:$0x0] =	wrdreg $0x0  }
0xa9: {  	s6 =	sshll.u32 s28, $0x1;
	[dreg:$0x2] =	wrdreg s4  }
0xaa: {  	[dreg:$0x3] =	wrdreg s6  }
0xab: {  	[dreg:$0x4] =	wrdreg $0xC0  }
0xac: {  	_ =	task [dreg:s8], $0x5FFFF  }
0xad: {  	[dreg:$0x1] =	wrdreg $0xFFFFFFFF  }
0xae: {  	[dreg:$0x0] =	wrdreg $0x60  }
0xaf: {  	[dreg:$0x2] =	wrdreg s2  }
0xb0: {  	[dreg:$0x3] =	wrdreg s24  }
0xb1: {  	[dreg:$0x4] =	wrdreg s18  }
0xb2: {  	[dreg:$0x5] =	wrdreg $0xA4000  }
0xb3: {  	[dreg:$0x6] =	wrdreg $0x9  }
0xb4: {  	_ =	task.clear_ibuf [dreg:s8], $0x7FFFF;
	_ =	strace $0x90000046  }
0xb5: {  	s29 =	simm.s32 $0x9;
	_ =	strace $0x80000048  }
0xb6: {  	_ =	swait.ge [sflag:s29], $0x1  }
0xb7: {  	[sflag:s29] =	ssyncadd.s32 $0xFFFFFFFF  }
0xb8: {  	_ =	strace $0x90000048  }
0xb9: {  	_ =	sfence  }
0xba: {  	s30 =	sld [smem:$0x0];
	_ =	sdelay $0x2  }
0xbb: {  	s31 =	sshll.u32 s1, $0xD;
	s1 =	sshrl.u32 s1, $0x2  }
0xbc: {  	s3 =	sand.u32 $0x4000, s31;
	s1 =	sadd.s32 s1, s30  }
0xbd: {  	s0 =	sor.u32 s3, s0;
	s1 =	sshll.u32 s1, $0x11  }
0xbe: {  	s0 =	sor.u32 s1, s0  }
0xbf: {  	s0 =	sadd.s32 $0x8F2B, s0  }
0xc0: {  	[sflag:s0] =	ssyncadd.remote.s32 $0x1  }
0xc1: {  	_ =	sfence.sel $0xFFFF  }
0xc2: {  	[dreg:$0x0] =	wrdreg $0xFFFFFFFF;
	(pc) =	sbr.abs _section_cstart, $3  }
0xc3: {  	[dreg:$0x1] =	wrdreg $0xFFFFFFFF  }
0xc4: {  	_ =	task.clear_ibuf [dreg:s8], $0x2FFFF;
	_ =	strace $0x9FFFFFFF  }
0xc5: {  	(tm) =	ssettm $0x7FFFFFFF  }
tec
execute0_lowered:
.L_overlay_start_1:
0x0: {  	(tag) =	ssettag $0x1  }
0x1: {  	s26 =	stileid.u32  }
0x2: {  	s0 =	srdreg.scid;
	s2 =	smul.u32 $0x2800, s26  }
0x3: {  	s4 =	sand.u32 $0x1, s0;
	s19 =	smul.u32 $0x2710, s26  }
0x4: {  	s13 =	sor.u32 $0x10, s26;
	s6 =	smul.u32 $0x138800, s4  }
0x5: {  	s11 =	sor.u32 $0x20, s26;
	s14 =	smul.u32 $0x2800, s13  }
0x6: {  	s8 =	sor.u32 $0x30, s26;
	s15 =	smul.u32 $0x2800, s11  }
0x7: {  	s16 =	smul.u32 $0x2800, s8  }
0x8: {  	s17 =	sor.u32 $0x40, s26;
	s18 =	smul.u32 $0x27100, s4  }
0x9: {  	s12 =	rddreg [dreg:$0x1];
	s9 =	sor.u32 $0x50, s26;
	s21 =	smul.u32 $0x2800, s17  }
0xa: {  	s1 =	rddreg [dreg:$0x2];
	s10 =	sor.u32 $0x60, s26;
	s22 =	smul.u32 $0x2800, s9  }
0xb: {  	s3 =	rddreg [dreg:$0x3];
	s5 =	simm.s32 $0x0;
	s25 =	smul.u32 $0x2800, s10  }
0xc: {  	s30 =	simm.s32 $0x380;
	s28 =	simm.s32 $0x50;
	s13 =	smul.u32 $0xA000, s13  }
0xd: {  	s29 =	simm.s32 $0x2;
	s31 =	simm.s32 $0x3;
	s11 =	smul.u32 $0xA000, s11  }
0xe: {  	[smem:$0x7FF] =	sst s5;
	p0 =	sgt.u32 s26, $0xC;
	s8 =	smul.u32 $0xA000, s8  }
0xf: {  	s0 =	ssub.s32 $0x2, s4;
	_ =	strace $0x80000047;
	s9 =	smul.u32 $0xA000, s9  }
0x10: {  	s10 =	smul.u32 $0xA000, s10;
	s4 =	sshll.u32 s4, $0x4;
	s7 =	sshrl.u32 s0, $0x1  }
0x11: {  	s4 =	sor.u32 s26, s4;
	s0 =	ssub.s32 s0, s7;
	s7 =	sor.u32 $0x70, s26  }
0x12: {  	s20 =	sadd.s32 s2, s6;
	s14 =	sadd.s32 s6, s14;
	s15 =	sadd.s32 s6, s15  }
0x13: {  	s2 =	sadd.s32 s19, s18;
	s16 =	sadd.s32 s6, s16;
	s21 =	sadd.s32 s6, s21  }
0x14: {  	s22 =	sadd.s32 s6, s22;
	s18 =	sadd.s32 s6, s25;
	s11 =	sshrl.u32 s11, $0x2  }
0x15: {  	s8 =	sshrl.u32 s8, $0x2;
	s9 =	sshrl.u32 s9, $0x2;
	s4 =	smul.u32 $0x2710, s4  }
0x16: {  	s19 =	sadd.s32 $0x230, s2;
	s23 =	smul.u32 $0x2800, s7;
	s20 =	sshrl.u32 s20, $0x3  }
0x17: {  	s14 =	sshrl.u32 s14, $0x3;
	s25 =	sshrl.u32 s15, $0x3;
	s11 =	sadd.s32 s11, s3  }
0x18: {  	s7 =	smul.u32 $0xA000, s7;
	s8 =	sadd.s32 s8, s3;
	[dreg:$0x15] =	wrdreg s11  }
0x19: {  	s0 =	smax.u32 s0, $0x1;
	s19 =	sshrl.u32 s19, $0x3;
	[dreg:$0x16] =	wrdreg s8  }
0x1a: {  	s4 =	sshrl.u32 s4, $0x3;
	[smem:$0x7FC] =	sst s0;
	s11 =	simm.s32 $0x100  }
0x1b: {  	s0 =	simm.s32 $0x0;
	s24 =	sadd.s32 s19, s1;
	s7 =	sshrl.u32 s7, $0x2  }
0x1c: {  	[dreg:$0x5] =	wrdreg s24;
	s24 =	sadd.s32 $0xC00, s12;
	s7 =	sadd.s32 s7, s3  }
0x1d: {  	s12 =	sadd.s32 $0xAA00, s12;
	s19 =	sadd.s32 s19, s24;
	[dreg:$0x1a] =	wrdreg s7  }
0x1e: {  	s23 =	sadd.s32 s6, s23;
	s20 =	sadd.s32 s12, s20;
	[dreg:$0x6] =	wrdreg s19  }
0x1f: {  	s6 =	sshrl.u32 s16, $0x3;
	s14 =	sadd.s32 s12, s14;
	[dreg:$0xb] =	wrdreg s20  }
0x20: {  	s16 =	sadd.s32 s12, s6;
	[dreg:$0xc] =	wrdreg s14;
	s14 =	sadd.s32 s12, s25  }
0x21: {  	[dreg:$0xe] =	wrdreg s16;
	s19 =	sshrl.u32 s21, $0x3;
	s20 =	sshrl.u32 s22, $0x3  }
0x22: {  	s21 =	sadd.s32 $0x1E0, s2;
	s22 =	sshrl.u32 s18, $0x3;
	s25 =	sshrl.u32 s23, $0x3  }
0x23: {  	s18 =	sadd.s32 $0x190, s2;
	s23 =	sshrl.u32 s13, $0x2;
	s16 =	sadd.s32 $0xA, s4  }
0x24: {  	[dreg:$0xd] =	wrdreg s14;
	s14 =	sadd.s32 s12, s19;
	s15 =	sshrl.u32 s21, $0x3  }
0x25: {  	s7 =	sadd.s32 s1, s16;
	[dreg:$0xf] =	wrdreg s14;
	s14 =	sadd.s32 s12, s20  }
0x26: {  	s6 =	sadd.s32 s15, s1;
	s19 =	sadd.s32 s15, s24;
	[dreg:$0x1c] =	wrdreg s7  }
0x27: {  	s20 =	smul.u32 $0xA000, s26;
	s15 =	sshrl.u32 s10, $0x2;
	[dreg:$0x10] =	wrdreg s14  }
0x28: {  	s26 =	simm.s32 $0x1;
	s14 =	sadd.s32 s12, s22;
	[dreg:$0x7] =	wrdreg s6  }
0x29: {  	s12 =	sadd.s32 s12, s25;
	[dreg:$0x8] =	wrdreg s19;
	s25 =	smul.u32 $0xA000, s17  }
0x2a: {  	s10 =	sadd.s32 s15, s3;
	s17 =	sadd.s32 s24, s16;
	[dreg:$0x11] =	wrdreg s14  }
0x2b: {  	s15 =	simm.s32 $0x7C00;
	s16 =	simm.s32 $0x5;
	[dreg:$0x12] =	wrdreg s12  }
0x2c: {  	s12 =	sshrl.u32 s18, $0x3;
	s22 =	sshrl.u32 s20, $0x2;
	[dreg:$0x1b] =	wrdreg s17  }
0x2d: {  	s14 =	sadd.s32 s9, s3;
	s9 =	smov.u32 s24;
	[dreg:$0x19] =	wrdreg s10  }
0x2e: {  	s18 =	sadd.s32 $0x14, s4;
	s20 =	sadd.s32 s24, s4;
	[dreg:$0x18] =	wrdreg s14  }
0x2f: {  	s17 =	simm.s32 $0x6;
	s21 =	sadd.s32 s12, s1;
	[dreg:$0x1f] =	wrdreg s20  }
0x30: {  	s12 =	sadd.s32 s12, s24;
	s6 =	sshrl.u32 s25, $0x2;
	[dreg:$0x9] =	wrdreg s21  }
0x31: {  	s19 =	sadd.s32 s24, s18;
	s7 =	sadd.s32 s1, s18;
	[dreg:$0xa] =	wrdreg s12  }
0x32: {  	s25 =	sadd.s32 $0x140, s2;
	s14 =	simm.s32 $0x80;
	[dreg:$0x1d] =	wrdreg s19  }
0x33: {  	s18 =	simm.s32 $0x7;
	s20 =	simm.s32 $0x9;
	[dreg:$0x1e] =	wrdreg s7  }
0x34: {  	s12 =	sadd.s32 s22, s3;
	s13 =	sadd.s32 s6, s3;
	[smem:$0x7FD] =	sst s25  }
0x35: {  	s21 =	sadd.s32 s1, s4;
	s22 =	sadd.s32 $0x1E, s4;
	[dreg:$0x13] =	wrdreg s12  }
0x36: {  	s4 =	sadd.s32 $0x4D8, s4;
	s19 =	simm.s32 $0x8;
	[dreg:$0x17] =	wrdreg s13  }
0x37: {  	s12 =	sadd.s32 s23, s3;
	[smem:$0x7F7] =	sst s21;
	s23 =	sadd.s32 s24, s22  }
0x38: {  	s7 =	sadd.s32 s1, s22;
	s24 =	sadd.s32 s24, s4;
	[smem:$0x7F8] =	sst s23  }
0x39: {  	s4 =	sadd.s32 s1, s4;
	s13 =	simm.s32 $0xD;
	[smem:$0x7F9] =	sst s7  }
0x3a: {  	s21 =	simm.s32 $0xA;
	s22 =	simm.s32 $0xB;
	[smem:$0x7FA] =	sst s24  }
0x3b: {  	[smem:$0x7FB] =	sst s4;
	s24 =	simm.s32 $0x300;
	s4 =	simm.s32 $0x4  }
0x3c: {  	v0 =	vimm.f32 $0.0e+00;
	[dreg:$0x14] =	wrdreg s12;
	s23 =	simm.s32 $0x280;
	s7 =	simm.s32 $0x5400  }
.LBB2_1:
0x3d: {  	[smem:$0x7F6] =	sst s0;
	s2 =	simm.s32 $0x0;
	s8 =	simm.s32 $0x200  }
.LBB2_2:
0x3e: {  	p1 =	sne.s32 s8, $0x9E00;
	[tilespmem:s2+$0x470] =	vst v0  }
0x3f: {  	[tilespmem:s2+$0x400] =	vst v0  }
0x40: {  	[tilespmem:s2+$0x410] =	vst v0  }
.Ltmp0:
0x41: {  	[tilespmem:s2+$0x420] =	vst v0;
	(pc) =	sbr.rel @p1 .LBB2_2-.Ltmp0, $4  }
0x42: {  	[tilespmem:s2+$0x430] =	vst v0  }
0x43: {  	[tilespmem:s2+$0x440] =	vst v0  }
0x44: {  	[tilespmem:s2+$0x450] =	vst v0  }
0x45: {  	[tilespmem:s2+$0x460] =	vst v0;
	s2 =	sshra.s32 s8, $0x2;
	s8 =	sadd.s32 $0x200, s8  }
0x46: {  	[tilespmem:s2+$0x470] =	vst v0  }
0x47: {  	[tilespmem:s2+$0x400] =	vst v0  }
0x48: {  	[tilespmem:s2+$0x410] =	vst v0  }
0x49: {  	[tilespmem:s2+$0x420] =	vst v0  }
0x4a: {  	[tilespmem:s2+$0x430] =	vst v0  }
0x4b: {  	[tilespmem:s2+$0x440] =	vst v0  }
0x4c: {  	[tilespmem:s2+$0x450] =	vst v0  }
0x4d: {  	[tilespmem:s2+$0x460] =	vst v0;
	s6 =	rddreg [dreg:$0x13];
	s8 =	simm.s32 $0x400  }
0x4e: {  	[spmem:s6] =	stream.linear.scatter [tilespmem:s8], [sflag:$0xD], $0x2800, $0x38;
	[tilespmem:$0x1DC80] =	vst v63  }
0x4f: {  	_ =	swait.ge [sflag:s13], $0x2800  }
0x50: {  	[sflag:s13] =	ssyncset.done $0x0  }
0x51: {  	[sflag:s13] =	ssyncadd.s32 $0xFFFFD800  }
0x52: {  	[spmem:s12] =	stream.linear.scatter [tilespmem:s8], [sflag:$0xD], $0x2800, $0x38;
	[tilespmem:$0x1DC80] =	vst v63  }
0x53: {  	_ =	swait.ge [sflag:s13], $0x2800  }
0x54: {  	[sflag:s13] =	ssyncset.done $0x0  }
0x55: {  	s12 =	simm.s32 $0x400;
	s25 =	rddreg [dreg:$0x15];
	[sflag:s13] =	ssyncadd.s32 $0xFFFFD800  }
0x56: {  	[spmem:s25] =	stream.linear.scatter [tilespmem:s12], [sflag:$0xD], $0x2800, $0x38;
	[tilespmem:$0x1DC80] =	vst v63  }
0x57: {  	_ =	swait.ge [sflag:s13], $0x2800  }
0x58: {  	[sflag:s13] =	ssyncset.done $0x0  }
0x59: {  	s0 =	rddreg [dreg:$0x16];
	[sflag:s13] =	ssyncadd.s32 $0xFFFFD800  }
0x5a: {  	[spmem:s0] =	stream.linear.scatter [tilespmem:s12], [sflag:$0xD], $0x2800, $0x38;
	[tilespmem:$0x1DC80] =	vst v63  }
0x5b: {  	_ =	swait.ge [sflag:s13], $0x2800  }
0x5c: {  	[sflag:s13] =	ssyncset.done $0x0  }
0x5d: {  	s6 =	rddreg [dreg:$0x17];
	[sflag:s13] =	ssyncadd.s32 $0xFFFFD800  }
0x5e: {  	[spmem:s6] =	stream.linear.scatter [tilespmem:s12], [sflag:$0xD], $0x2800, $0x38;
	[tilespmem:$0x1DC80] =	vst v63  }
0x5f: {  	_ =	swait.ge [sflag:s13], $0x2800  }
0x60: {  	[sflag:s13] =	ssyncset.done $0x0  }
0x61: {  	s8 =	rddreg [dreg:$0x18];
	[sflag:s13] =	ssyncadd.s32 $0xFFFFD800  }
0x62: {  	[spmem:s8] =	stream.linear.scatter [tilespmem:s12], [sflag:$0xD], $0x2800, $0x38;
	[tilespmem:$0x1DC80] =	vst v63  }
0x63: {  	_ =	swait.ge [sflag:s13], $0x2800  }
0x64: {  	[sflag:s13] =	ssyncset.done $0x0  }
0x65: {  	[sflag:s13] =	ssyncadd.s32 $0xFFFFD800  }
0x66: {  	[spmem:s10] =	stream.linear.scatter [tilespmem:s12], [sflag:$0xD], $0x2800, $0x38;
	[tilespmem:$0x1DC80] =	vst v63  }
0x67: {  	_ =	swait.ge [sflag:s13], $0x2800  }
0x68: {  	[sflag:s13] =	ssyncset.done $0x0  }
0x69: {  	s2 =	simm.s32 @!p0 $0x400;
	s8 =	rddreg [dreg:$0x1a];
	[sflag:s13] =	ssyncadd.s32 $0xFFFFD800  }
0x6a: {  	[spmem:s8] =	stream.linear.scatter @!p0 [tilespmem:s2], [sflag:$0xD], $0x2800, $0x38;
	[tilespmem:$0x1DC80] =	vst v63  }
0x6b: {  	s2 =	simm.s32 @!p0 $0xD  }
0x6c: {  	_ =	swait.ge @!p0 [sflag:s2], $0x2800  }
0x6d: {  	[sflag:s2] =	ssyncset.done @!p0 $0x0  }
0x6e: {  	[sflag:s2] =	ssyncadd.s32 @!p0 $0xFFFFD800  }
0x6f: {  	[bflag:$0x0] =	sbarrier.arrive $0xFFFF  }
0x70: {  	s13 =	rddreg [dreg:$0x1f]  }
0x71: {  	s2 =	simm.s32 $0x0;
	s25 =	sld [smem:$0x7F7]  }
0x72: {  	[tilespmem:s2], [sflag:$0x1] =	stream.linear.gather [hbm4b:s13+s2], $0x50, $0x38;
	[tilespmem:$0x1DC80] =	vst v63  }
0x73: {  	s0 =	rddreg [dreg:$0x1b];
	s13 =	simm.s32 $0x200  }
0x74: {  	[tilespmem:s13], [sflag:$0x1] =	stream.linear.gather [hbm4b:s25+s2], $0x50, $0x38;
	[tilespmem:$0x1DC80] =	vst v63  }
0x75: {  	s6 =	rddreg [dreg:$0x1c]  }
0x76: {  	[tilespmem:s14], [sflag:$0x2] =	stream.linear.gather [hbm4b:s0+s2], $0x50, $0x38;
	[tilespmem:$0x1DC80] =	vst v63  }
0x77: {  	s10 =	rddreg [dreg:$0x1d]  }
0x78: {  	[tilespmem:s23], [sflag:$0x2] =	stream.linear.gather [hbm4b:s6+s2], $0x50, $0x38;
	[tilespmem:$0x1DC80] =	vst v63  }
0x79: {  	s25 =	rddreg [dreg:$0x1e]  }
0x7a: {  	[tilespmem:s11], [sflag:$0x3] =	stream.linear.gather [hbm4b:s10+s2], $0x50, $0x38;
	[tilespmem:$0x1DC80] =	vst v63  }
0x7b: {  	s0 =	sld [smem:$0x7F8]  }
0x7c: {  	[tilespmem:s24], [sflag:$0x3] =	stream.linear.gather [hbm4b:s25+s2], $0x50, $0x38;
	[tilespmem:$0x1DC80] =	vst v63  }
0x7d: {  	s6 =	sld [smem:$0x7F9];
	s25 =	simm.s32 $0x180  }
0x7e: {  	[tilespmem:s25], [sflag:$0x4] =	stream.linear.gather [hbm4b:s0+s2], $0x50, $0x38;
	[tilespmem:$0x1DC80] =	vst v63  }
0x7f: {  	_ = 	snop  }
0x80: {  	[tilespmem:s30], [sflag:$0x4] =	stream.linear.gather [hbm4b:s6+s2], $0x50, $0x38;
	[tilespmem:$0x1DC80] =	vst v63  }
0x81: {  	_ =	swait.ge [sflag:s26], $0x50  }
0x82: {  	[sflag:s26] =	ssyncset.done $0x0  }
0x83: {  	[sflag:s26] =	ssyncadd.s32 $0xFFFFFFB0  }
0x84: {  	s6 =	rddreg [dreg:$0x0]  }
0x85: {  	[tilespmem:s12], [sflag:$0x5] =	stream.indirect.gather [hbm4b:s6+s28], $0x80, s2, s28, $0xb8;
	[tilespmem:$0x1DC80] =	vst v63  }
0x86: {  	_ =	swait.ge [sflag:s29], $0x50  }
0x87: {  	[sflag:s29] =	ssyncset.done $0x0  }
0x88: {  	s0 =	simm.s32 $0x2C00;
	[sflag:s29] =	ssyncadd.s32 $0xFFFFFFB0  }
0x89: {  	[tilespmem:s0], [sflag:$0x6] =	stream.indirect.gather [hbm4b:s6+s28], $0x80, s14, s28, $0xb8;
	[tilespmem:$0x1DC80] =	vst v63  }
0x8a: {  	_ =	swait.ge [sflag:s31], $0x50  }
0x8b: {  	[sflag:s31] =	ssyncset.done $0x0  }
0x8c: {  	[sflag:s31] =	ssyncadd.s32 $0xFFFFFFB0  }
0x8d: {  	[tilespmem:s7], [sflag:$0x7] =	stream.indirect.gather [hbm4b:s6+s28], $0x80, s11, s28, $0xb8;
	[tilespmem:$0x1DC80] =	vst v63  }
0x8e: {  	_ =	swait.ge [sflag:s4], $0x50  }
0x8f: {  	[sflag:s4] =	ssyncset.done $0x0  }
0x90: {  	[sflag:s4] =	ssyncadd.s32 $0xFFFFFFB0  }
0x91: {  	[tilespmem:s15], [sflag:$0x8] =	stream.indirect.gather [hbm4b:s6+s28], $0x80, s25, s28, $0xb8;
	[tilespmem:$0x1DC80] =	vst v63  }
0x92: {  	_ =	swait.ge [sflag:s16], $0x2800  }
0x93: {  	[sflag:s16] =	ssyncset.done $0x0  }
0x94: {  	[sflag:s16] =	ssyncadd.s32 $0xFFFFD800  }
0x95: {  	_ =	swait.ge [sflag:s26], $0x50  }
0x96: {  	[sflag:s26] =	ssyncset.done $0x0  }
0x97: {  	[sflag:s26] =	ssyncadd.s32 $0xFFFFFFB0  }
0x98: {  	[spmem:s3] =	stream.indirect.scatter.add.f32 [tilespmem:s12], [sflag:$0x9], $0x80, s13, s28, $0xb8;
	[tilespmem:$0x1DC80] =	vst v63  }
0x99: {  	_ =	swait.ge [sflag:s17], $0x2800  }
0x9a: {  	[sflag:s17] =	ssyncset.done $0x0  }
0x9b: {  	[sflag:s17] =	ssyncadd.s32 $0xFFFFD800  }
0x9c: {  	_ =	swait.ge [sflag:s29], $0x50  }
0x9d: {  	[sflag:s29] =	ssyncset.done $0x0  }
0x9e: {  	[sflag:s29] =	ssyncadd.s32 $0xFFFFFFB0  }
0x9f: {  	[spmem:s3] =	stream.indirect.scatter.add.f32 [tilespmem:s0], [sflag:$0xA], $0x80, s23, s28, $0xb8;
	[tilespmem:$0x1DC80] =	vst v63  }
0xa0: {  	_ =	swait.ge [sflag:s18], $0x2800  }
0xa1: {  	[sflag:s18] =	ssyncset.done $0x0  }
0xa2: {  	[sflag:s18] =	ssyncadd.s32 $0xFFFFD800  }
0xa3: {  	_ =	swait.ge [sflag:s31], $0x50  }
0xa4: {  	[sflag:s31] =	ssyncset.done $0x0  }
0xa5: {  	[sflag:s31] =	ssyncadd.s32 $0xFFFFFFB0  }
0xa6: {  	[spmem:s3] =	stream.indirect.scatter.add.f32 [tilespmem:s7], [sflag:$0xB], $0x80, s24, s28, $0xb8;
	[tilespmem:$0x1DC80] =	vst v63  }
0xa7: {  	_ =	swait.ge [sflag:s19], $0x2800  }
0xa8: {  	[sflag:s19] =	ssyncset.done $0x0  }
0xa9: {  	[sflag:s19] =	ssyncadd.s32 $0xFFFFD800  }
0xaa: {  	_ =	swait.ge [sflag:s4], $0x50  }
0xab: {  	[sflag:s4] =	ssyncset.done $0x0  }
0xac: {  	[sflag:s4] =	ssyncadd.s32 $0xFFFFFFB0  }
0xad: {  	[spmem:s3] =	stream.indirect.scatter.add.f32 [tilespmem:s15], [sflag:$0xC], $0x80, s30, s28, $0xb8;
	[tilespmem:$0x1DC80] =	vst v63  }
0xae: {  	_ =	swait.ge [sflag:s20], $0x2800  }
0xaf: {  	s10 =	sld [smem:$0x7FD];
	_ =	sdelay $0x2  }
0xb0: {  	[sflag:s20] =	ssyncset.done $0x0;
	s2 =	sshrl.u32 s10, $0x3  }
0xb1: {  	[sflag:s20] =	ssyncadd.s32 $0xFFFFD800;
	s8 =	sadd.s32 s9, s2  }
0xb2: {  	[tilespmem:s5], [sflag:$0x1] =	stream.linear.gather [hbm4b:s8+s5], $0x50, $0x38;
	[tilespmem:$0x1DC80] =	vst v63  }
0xb3: {  	s2 =	sadd.s32 s1, s2  }
0xb4: {  	[tilespmem:s13], [sflag:$0x1] =	stream.linear.gather [hbm4b:s2+s5], $0x50, $0x38;
	[tilespmem:$0x1DC80] =	vst v63  }
0xb5: {  	_ =	swait.ge [sflag:s21], $0x2800  }
0xb6: {  	s2 =	rddreg [dreg:$0xa];
	[sflag:s21] =	ssyncset.done $0x0  }
0xb7: {  	s8 =	rddreg [dreg:$0x9];
	[sflag:s21] =	ssyncadd.s32 $0xFFFFD800;
	s2 =	sadd.s32 $0x0, s2  }
0xb8: {  	[tilespmem:s14], [sflag:$0x2] =	stream.linear.gather [hbm4b:s2+s5], $0x50, $0x38;
	[tilespmem:$0x1DC80] =	vst v63  }
0xb9: {  	s8 =	sadd.s32 $0x0, s8  }
0xba: {  	[tilespmem:s23], [sflag:$0x2] =	stream.linear.gather [hbm4b:s8+s5], $0x50, $0x38;
	[tilespmem:$0x1DC80] =	vst v63  }
0xbb: {  	_ =	swait.ge [sflag:s26], $0x50  }
0xbc: {  	[sflag:s26] =	ssyncset.done $0x0  }
0xbd: {  	[sflag:s26] =	ssyncadd.s32 $0xFFFFFFB0  }
0xbe: {  	[tilespmem:s12], [sflag:$0x5] =	stream.indirect.gather [hbm4b:s6+s28], $0x80, s5, s28, $0xb8;
	[tilespmem:$0x1DC80] =	vst v63  }
0xbf: {  	_ =	swait.ge [sflag:s29], $0x50  }
0xc0: {  	[sflag:s29] =	ssyncset.done $0x0  }
0xc1: {  	[sflag:s29] =	ssyncadd.s32 $0xFFFFFFB0  }
0xc2: {  	[tilespmem:s0], [sflag:$0x6] =	stream.indirect.gather [hbm4b:s6+s28], $0x80, s14, s28, $0xb8;
	[tilespmem:$0x1DC80] =	vst v63  }
0xc3: {  	_ =	swait.ge [sflag:s22], $0x2800  }
0xc4: {  	s8 =	rddreg [dreg:$0x8];
	[sflag:s22] =	ssyncset.done $0x0  }
0xc5: {  	s14 =	rddreg [dreg:$0x7];
	[sflag:s22] =	ssyncadd.s32 $0xFFFFD800;
	s2 =	sadd.s32 $0x0, s8  }
0xc6: {  	[tilespmem:s11], [sflag:$0x3] =	stream.linear.gather [hbm4b:s2+s5], $0x50, $0x38;
	[tilespmem:$0x1DC80] =	vst v63  }
0xc7: {  	s14 =	sadd.s32 $0x0, s14  }
0xc8: {  	[tilespmem:s24], [sflag:$0x3] =	stream.linear.gather [hbm4b:s14+s5], $0x50, $0x38;
	[tilespmem:$0x1DC80] =	vst v63  }
0xc9: {  	s14 =	smov.u32 s1;
	s1 =	simm.s32 $0xC  }
0xca: {  	_ =	swait.ge [sflag:s1], $0x2800  }
0xcb: {  	s8 =	rddreg [dreg:$0x6];
	[sflag:s1] =	ssyncset.done $0x0  }
0xcc: {  	s24 =	rddreg [dreg:$0x5];
	[sflag:s1] =	ssyncadd.s32 $0xFFFFD800;
	s2 =	sadd.s32 $0x0, s8  }
0xcd: {  	[tilespmem:s25], [sflag:$0x4] =	stream.linear.gather [hbm4b:s2+s5], $0x50, $0x38;
	[tilespmem:$0x1DC80] =	vst v63  }
0xce: {  	s25 =	sadd.s32 $0x0, s24  }
0xcf: {  	[tilespmem:s30], [sflag:$0x4] =	stream.linear.gather [hbm4b:s25+s5], $0x50, $0x38;
	[tilespmem:$0x1DC80] =	vst v63  }
0xd0: {  	_ =	swait.ge [sflag:s31], $0x50  }
0xd1: {  	[sflag:s31] =	ssyncset.done $0x0  }
0xd2: {  	s10 =	sadd.s32 $0x140, s10;
	[sflag:s31] =	ssyncadd.s32 $0xFFFFFFB0  }
0xd3: {  	[tilespmem:s7], [sflag:$0x7] =	stream.indirect.gather [hbm4b:s6+s28], $0x80, s11, s28, $0xb8;
	[tilespmem:$0x1DC80] =	vst v63  }
0xd4: {  	s8 =	simm.s32 $0x28;
	s2 =	smov.u32 s6;
	_ =	swait.ge [sflag:s4], $0x50  }
0xd5: {  	s24 =	simm.s32 $0x100;
	s25 =	simm.s32 $0x300;
	[sflag:s4] =	ssyncset.done $0x0  }
0xd6: {  	s11 =	smov.u32 s14;
	s6 =	simm.s32 $0x180;
	[sflag:s4] =	ssyncadd.s32 $0xFFFFFFB0  }
.LBB2_4:
0xd7: {  	[tilespmem:s15], [sflag:$0x8] =	stream.indirect.gather [hbm4b:s2+s28], $0x80, s6, s28, $0xb8;
	[tilespmem:$0x1DC80] =	vst v63  }
0xd8: {  	_ =	swait.ge [sflag:s16], $0x2800  }
0xd9: {  	[sflag:s16] =	ssyncset.done $0x0  }
0xda: {  	[sflag:s16] =	ssyncadd.s32 $0xFFFFD800  }
0xdb: {  	_ =	swait.ge [sflag:s26], $0x50  }
0xdc: {  	[sflag:s26] =	ssyncset.done $0x0  }
0xdd: {  	[sflag:s26] =	ssyncadd.s32 $0xFFFFFFB0  }
0xde: {  	[spmem:s3] =	stream.indirect.scatter.add.f32 [tilespmem:s12], [sflag:$0x9], $0x80, s13, s28, $0xb8;
	[tilespmem:$0x1DC80] =	vst v63  }
0xdf: {  	_ =	swait.ge [sflag:s17], $0x2800  }
0xe0: {  	[sflag:s17] =	ssyncset.done $0x0  }
0xe1: {  	[sflag:s17] =	ssyncadd.s32 $0xFFFFD800  }
0xe2: {  	_ =	swait.ge [sflag:s29], $0x50  }
0xe3: {  	[sflag:s29] =	ssyncset.done $0x0  }
0xe4: {  	[sflag:s29] =	ssyncadd.s32 $0xFFFFFFB0  }
0xe5: {  	[spmem:s3] =	stream.indirect.scatter.add.f32 [tilespmem:s0], [sflag:$0xA], $0x80, s23, s28, $0xb8;
	[tilespmem:$0x1DC80] =	vst v63  }
0xe6: {  	_ =	swait.ge [sflag:s18], $0x2800  }
0xe7: {  	[sflag:s18] =	ssyncset.done $0x0  }
0xe8: {  	[sflag:s18] =	ssyncadd.s32 $0xFFFFD800  }
0xe9: {  	_ =	swait.ge [sflag:s31], $0x50  }
0xea: {  	[sflag:s31] =	ssyncset.done $0x0  }
0xeb: {  	[sflag:s31] =	ssyncadd.s32 $0xFFFFFFB0  }
0xec: {  	[spmem:s3] =	stream.indirect.scatter.add.f32 [tilespmem:s7], [sflag:$0xB], $0x80, s25, s28, $0xb8;
	[tilespmem:$0x1DC80] =	vst v63  }
0xed: {  	_ =	swait.ge [sflag:s19], $0x2800  }
0xee: {  	[sflag:s19] =	ssyncset.done $0x0  }
0xef: {  	[sflag:s19] =	ssyncadd.s32 $0xFFFFD800  }
0xf0: {  	_ =	swait.ge [sflag:s4], $0x50  }
0xf1: {  	[sflag:s4] =	ssyncset.done $0x0  }
0xf2: {  	[sflag:s4] =	ssyncadd.s32 $0xFFFFFFB0  }
0xf3: {  	[spmem:s3] =	stream.indirect.scatter.add.f32 [tilespmem:s15], [sflag:$0xC], $0x80, s30, s28, $0xb8;
	[tilespmem:$0x1DC80] =	vst v63  }
0xf4: {  	_ =	swait.ge [sflag:s20], $0x2800  }
0xf5: {  	s6 =	sshrl.u32 s10, $0x3;
	[sflag:s20] =	ssyncset.done $0x0  }
0xf6: {  	s12 =	smov.u32 s9;
	s9 =	sadd.s32 s9, s6;
	[sflag:s20] =	ssyncadd.s32 $0xFFFFD800  }
0xf7: {  	[tilespmem:s5], [sflag:$0x1] =	stream.linear.gather [hbm4b:s9+s5], $0x50, $0x38;
	[tilespmem:$0x1DC80] =	vst v63  }
0xf8: {  	s14 =	simm.s32 $0x200;
	s6 =	sadd.s32 s11, s6  }
0xf9: {  	[tilespmem:s14], [sflag:$0x1] =	stream.linear.gather [hbm4b:s6+s5], $0x50, $0x38;
	[tilespmem:$0x1DC80] =	vst v63  }
0xfa: {  	s2 =	smov.u32 s8;
	_ =	swait.ge [sflag:s21], $0x2800  }
0xfb: {  	s14 =	simm.s32 $0x80;
	s6 =	rddreg [dreg:$0xa];
	[sflag:s21] =	ssyncset.done $0x0  }
0xfc: {  	s9 =	rddreg [dreg:$0x9];
	[sflag:s21] =	ssyncadd.s32 $0xFFFFD800;
	s6 =	sadd.s32 s2, s6  }
0xfd: {  	[tilespmem:s14], [sflag:$0x2] =	stream.linear.gather [hbm4b:s6+s5], $0x50, $0x38;
	[tilespmem:$0x1DC80] =	vst v63  }
0xfe: {  	s9 =	sadd.s32 s2, s9  }
0xff: {  	[tilespmem:s23], [sflag:$0x2] =	stream.linear.gather [hbm4b:s9+s5], $0x50, $0x38;
	[tilespmem:$0x1DC80] =	vst v63  }
0x100: {  	_ =	swait.ge [sflag:s26], $0x50  }
0x101: {  	[sflag:s26] =	ssyncset.done $0x0  }
0x102: {  	[sflag:s26] =	ssyncadd.s32 $0xFFFFFFB0  }
0x103: {  	s13 =	simm.s32 $0x400;
	s9 =	rddreg [dreg:$0x0]  }
0x104: {  	[tilespmem:s13], [sflag:$0x5] =	stream.indirect.gather [hbm4b:s9+s28], $0x80, s5, s28, $0xb8;
	[tilespmem:$0x1DC80] =	vst v63  }
0x105: {  	_ =	swait.ge [sflag:s29], $0x50  }
0x106: {  	[sflag:s29] =	ssyncset.done $0x0  }
0x107: {  	[sflag:s29] =	ssyncadd.s32 $0xFFFFFFB0  }
0x108: {  	s9 =	rddreg [dreg:$0x0]  }
0x109: {  	[tilespmem:s0], [sflag:$0x6] =	stream.indirect.gather [hbm4b:s9+s28], $0x80, s14, s28, $0xb8;
	[tilespmem:$0x1DC80] =	vst v63  }
0x10a: {  	_ =	swait.ge [sflag:s22], $0x2800  }
0x10b: {  	s6 =	rddreg [dreg:$0x8];
	[sflag:s22] =	ssyncset.done $0x0  }
0x10c: {  	s9 =	rddreg [dreg:$0x7];
	[sflag:s22] =	ssyncadd.s32 $0xFFFFD800;
	s6 =	sadd.s32 s2, s6  }
0x10d: {  	[tilespmem:s24], [sflag:$0x3] =	stream.linear.gather [hbm4b:s6+s5], $0x50, $0x38;
	[tilespmem:$0x1DC80] =	vst v63  }
0x10e: {  	s9 =	sadd.s32 s2, s9  }
0x10f: {  	[tilespmem:s25], [sflag:$0x3] =	stream.linear.gather [hbm4b:s9+s5], $0x50, $0x38;
	[tilespmem:$0x1DC80] =	vst v63  }
0x110: {  	_ =	swait.ge [sflag:s1], $0x2800  }
0x111: {  	s30 =	simm.s32 $0x180;
	s6 =	rddreg [dreg:$0x6];
	[sflag:s1] =	ssyncset.done $0x0  }
0x112: {  	s9 =	rddreg [dreg:$0x5];
	[sflag:s1] =	ssyncadd.s32 $0xFFFFD800;
	s6 =	sadd.s32 s2, s6  }
0x113: {  	[tilespmem:s30], [sflag:$0x4] =	stream.linear.gather [hbm4b:s6+s5], $0x50, $0x38;
	[tilespmem:$0x1DC80] =	vst v63  }
0x114: {  	s2 =	sadd.s32 s2, s9;
	s30 =	simm.s32 $0x380  }
0x115: {  	[tilespmem:s30], [sflag:$0x4] =	stream.linear.gather [hbm4b:s2+s5], $0x50, $0x38;
	[tilespmem:$0x1DC80] =	vst v63  }
0x116: {  	s2 =	rddreg [dreg:$0x0];
	_ =	swait.ge [sflag:s31], $0x50  }
0x117: {  	p1 =	sne.s32 s8, $0x488;
	[sflag:s31] =	ssyncset.done $0x0  }
.Ltmp1:
0x118: {  	[sflag:s31] =	ssyncadd.s32 $0xFFFFFFB0;
	(pc) =	sbr.rel @p1 .LBB2_4-.Ltmp1, $4  }
0x119: {  	[tilespmem:s7], [sflag:$0x7] =	stream.indirect.gather [hbm4b:s2+s28], $0x80, s24, s28, $0xb8;
	[tilespmem:$0x1DC80] =	vst v63  }
0x11a: {  	s8 =	sadd.s32 $0x28, s8;
	s10 =	sadd.s32 $0x140, s10;
	_ =	swait.ge [sflag:s4], $0x50  }
0x11b: {  	s13 =	simm.s32 $0x200;
	s9 =	smov.u32 s12;
	[sflag:s4] =	ssyncset.done $0x0  }
0x11c: {  	s12 =	simm.s32 $0x400;
	s6 =	simm.s32 $0x180;
	[sflag:s4] =	ssyncadd.s32 $0xFFFFFFB0  }
0x11d: {  	[tilespmem:s15], [sflag:$0x8] =	stream.indirect.gather [hbm4b:s2+s28], $0x80, s6, s28, $0xb8;
	[tilespmem:$0x1DC80] =	vst v63  }
0x11e: {  	_ =	swait.ge [sflag:s16], $0x2800  }
0x11f: {  	[sflag:s16] =	ssyncset.done $0x0  }
0x120: {  	[sflag:s16] =	ssyncadd.s32 $0xFFFFD800  }
0x121: {  	_ =	swait.ge [sflag:s26], $0x50  }
0x122: {  	[sflag:s26] =	ssyncset.done $0x0  }
0x123: {  	[sflag:s26] =	ssyncadd.s32 $0xFFFFFFB0  }
0x124: {  	[spmem:s3] =	stream.indirect.scatter.add.f32 [tilespmem:s12], [sflag:$0x9], $0x80, s13, s28, $0xb8;
	[tilespmem:$0x1DC80] =	vst v63  }
0x125: {  	_ =	swait.ge [sflag:s17], $0x2800  }
0x126: {  	[sflag:s17] =	ssyncset.done $0x0  }
0x127: {  	[sflag:s17] =	ssyncadd.s32 $0xFFFFD800  }
0x128: {  	_ =	swait.ge [sflag:s29], $0x50  }
0x129: {  	[sflag:s29] =	ssyncset.done $0x0  }
0x12a: {  	[sflag:s29] =	ssyncadd.s32 $0xFFFFFFB0  }
0x12b: {  	[spmem:s3] =	stream.indirect.scatter.add.f32 [tilespmem:s0], [sflag:$0xA], $0x80, s23, s28, $0xb8;
	[tilespmem:$0x1DC80] =	vst v63  }
0x12c: {  	_ =	swait.ge [sflag:s18], $0x2800  }
0x12d: {  	[sflag:s18] =	ssyncset.done $0x0  }
0x12e: {  	[sflag:s18] =	ssyncadd.s32 $0xFFFFD800  }
0x12f: {  	_ =	swait.ge [sflag:s31], $0x50  }
0x130: {  	[sflag:s31] =	ssyncset.done $0x0  }
0x131: {  	[sflag:s31] =	ssyncadd.s32 $0xFFFFFFB0  }
0x132: {  	[spmem:s3] =	stream.indirect.scatter.add.f32 [tilespmem:s7], [sflag:$0xB], $0x80, s25, s28, $0xb8;
	[tilespmem:$0x1DC80] =	vst v63  }
0x133: {  	_ =	swait.ge [sflag:s19], $0x2800  }
0x134: {  	[sflag:s19] =	ssyncset.done $0x0  }
0x135: {  	[sflag:s19] =	ssyncadd.s32 $0xFFFFD800  }
0x136: {  	_ =	swait.ge [sflag:s4], $0x50  }
0x137: {  	[sflag:s4] =	ssyncset.done $0x0  }
0x138: {  	[sflag:s4] =	ssyncadd.s32 $0xFFFFFFB0  }
0x139: {  	[spmem:s3] =	stream.indirect.scatter.add.f32 [tilespmem:s15], [sflag:$0xC], $0x80, s30, s28, $0xb8;
	[tilespmem:$0x1DC80] =	vst v63  }
0x13a: {  	_ =	swait.ge [sflag:s20], $0x2800  }
0x13b: {  	s24 =	sld [smem:$0x7FA]  }
0x13c: {  	[sflag:s20] =	ssyncset.done $0x0  }
0x13d: {  	s25 =	sld [smem:$0x7FB];
	[sflag:s20] =	ssyncadd.s32 $0xFFFFD800  }
0x13e: {  	[tilespmem:s5], [sflag:$0x1] =	stream.linear.gather [hbm4b:s24+s5], $0x50, $0x38;
	[tilespmem:$0x1DC80] =	vst v63  }
0x13f: {  	_ = 	snop  }
0x140: {  	[tilespmem:s13], [sflag:$0x1] =	stream.linear.gather [hbm4b:s25+s5], $0x50, $0x38;
	[tilespmem:$0x1DC80] =	vst v63  }
0x141: {  	_ =	swait.ge [sflag:s26], $0x50  }
0x142: {  	[sflag:s26] =	ssyncset.done $0x0  }
0x143: {  	s10 =	smov.u32 s2;
	[sflag:s26] =	ssyncadd.s32 $0xFFFFFFB0  }
0x144: {  	[tilespmem:s12], [sflag:$0x5] =	stream.indirect.gather [hbm4b:s10+s28], $0x80, s5, s28, $0xb8;
	[tilespmem:$0x1DC80] =	vst v63  }
0x145: {  	_ =	swait.ge [sflag:s16], $0x2800  }
0x146: {  	[sflag:s16] =	ssyncset.done $0x0  }
0x147: {  	[sflag:s16] =	ssyncadd.s32 $0xFFFFD800  }
0x148: {  	_ =	swait.ge [sflag:s26], $0x50  }
0x149: {  	[sflag:s26] =	ssyncset.done $0x0  }
0x14a: {  	[sflag:s26] =	ssyncadd.s32 $0xFFFFFFB0  }
0x14b: {  	[spmem:s3] =	stream.indirect.scatter.add.f32 [tilespmem:s12], [sflag:$0x9], $0x80, s13, s28, $0xb8;
	[tilespmem:$0x1DC80] =	vst v63  }
0x14c: {  	_ =	swait.ge [sflag:s21], $0x2800  }
0x14d: {  	[sflag:s21] =	ssyncset.done $0x0  }
0x14e: {  	[sflag:s21] =	ssyncadd.s32 $0xFFFFD800  }
0x14f: {  	_ =	swait.ge [sflag:s22], $0x2800  }
0x150: {  	[sflag:s22] =	ssyncset.done $0x0  }
0x151: {  	[sflag:s22] =	ssyncadd.s32 $0xFFFFD800  }
0x152: {  	_ =	swait.ge [sflag:s1], $0x2800  }
0x153: {  	[sflag:s1] =	ssyncset.done $0x0  }
0x154: {  	[sflag:s1] =	ssyncadd.s32 $0xFFFFD800  }
0x155: {  	_ =	swait.ge [sflag:s20], $0x2800  }
0x156: {  	[sflag:s20] =	ssyncset.done $0x0  }
0x157: {  	s0 =	stileid.u32;
	[sflag:s20] =	ssyncadd.s32 $0xFFFFD800  }
0x158: {  	s2 =	sshll.u32 s0, $0x6;
	[bflag:$0x0] =	sbarrier.arrive $0xFFFF  }
0x159: {  	s2 =	sor.u32 $0x1C0D, s2;
	s1 =	rddreg [dreg:$0x13]  }
0x15a: {  	s13 =	simm.s32 $0xD;
	s8 =	rddreg [dreg:$0xb];
	s6 =	sshrl.u32 s1, $0x3  }
0x15b: {  	[hbm:s8], [sflag:s2] =	dma.local [spmem:s6], $0x500  }
0x15c: {  	_ =	swait.ge [sflag:s13], $0x500  }
0x15d: {  	[sflag:s13] =	ssyncset.done $0x0;
	s12 =	rddreg [dreg:$0x14]  }
0x15e: {  	s10 =	rddreg [dreg:$0xc];
	[sflag:s13] =	ssyncadd.s32 $0xFFFFFB00;
	s8 =	sshrl.u32 s12, $0x3  }
0x15f: {  	[hbm:s10], [sflag:s2] =	dma.local [spmem:s8], $0x500  }
0x160: {  	_ =	swait.ge [sflag:s13], $0x500  }
0x161: {  	[sflag:s13] =	ssyncset.done $0x0;
	s24 =	rddreg [dreg:$0x15]  }
0x162: {  	s25 =	rddreg [dreg:$0xd];
	[sflag:s13] =	ssyncadd.s32 $0xFFFFFB00;
	s6 =	sshrl.u32 s24, $0x3  }
0x163: {  	[hbm:s25], [sflag:s2] =	dma.local [spmem:s6], $0x500  }
0x164: {  	_ =	swait.ge [sflag:s13], $0x500  }
0x165: {  	[sflag:s13] =	ssyncset.done $0x0;
	s0 =	rddreg [dreg:$0x16]  }
0x166: {  	s1 =	rddreg [dreg:$0xe];
	[sflag:s13] =	ssyncadd.s32 $0xFFFFFB00;
	s6 =	sshrl.u32 s0, $0x3  }
0x167: {  	[hbm:s1], [sflag:s2] =	dma.local [spmem:s6], $0x500  }
0x168: {  	_ =	swait.ge [sflag:s13], $0x500  }
0x169: {  	[sflag:s13] =	ssyncset.done $0x0;
	s8 =	rddreg [dreg:$0x17]  }
0x16a: {  	s10 =	rddreg [dreg:$0xf];
	[sflag:s13] =	ssyncadd.s32 $0xFFFFFB00;
	s6 =	sshrl.u32 s8, $0x3  }
0x16b: {  	[hbm:s10], [sflag:s2] =	dma.local [spmem:s6], $0x500  }
0x16c: {  	_ =	swait.ge [sflag:s13], $0x500  }
0x16d: {  	[sflag:s13] =	ssyncset.done $0x0;
	s24 =	rddreg [dreg:$0x18]  }
0x16e: {  	s25 =	rddreg [dreg:$0x10];
	[sflag:s13] =	ssyncadd.s32 $0xFFFFFB00;
	s6 =	sshrl.u32 s24, $0x3  }
0x16f: {  	[hbm:s25], [sflag:s2] =	dma.local [spmem:s6], $0x500  }
0x170: {  	_ =	swait.ge [sflag:s13], $0x500  }
0x171: {  	[sflag:s13] =	ssyncset.done $0x0;
	s10 =	rddreg [dreg:$0x19]  }
0x172: {  	s1 =	rddreg [dreg:$0x11];
	[sflag:s13] =	ssyncadd.s32 $0xFFFFFB00;
	s0 =	sshrl.u32 s10, $0x3  }
0x173: {  	[hbm:s1], [sflag:s2] =	dma.local [spmem:s0], $0x500  }
0x174: {  	_ =	swait.ge [sflag:s13], $0x500  }
0x175: {  	[sflag:s13] =	ssyncset.done $0x0;
	s6 =	rddreg [dreg:$0x1a]  }
0x176: {  	s8 =	rddreg [dreg:$0x12];
	[sflag:s13] =	ssyncadd.s32 $0xFFFFFB00;
	s6 =	sshrl.u32 @!p0 s6, $0x3  }
0x177: {  	[hbm:s8], [sflag:s2] =	dma.local @!p0 [spmem:s6], $0x500  }
0x178: {  	s2 =	simm.s32 @!p0 $0xD  }
0x179: {  	_ =	swait.ge @!p0 [sflag:s2], $0x500  }
0x17a: {  	s24 =	sld [smem:$0x7F6]  }
0x17b: {  	s25 =	sld [smem:$0x7FC];
	_ =	sdelay $0x1  }
0x17c: {  	s0 =	sadd.s32 $0x1, s24  }
0x17d: {  	p1 =	sne.s32 s0, s25  }
.Ltmp2:
0x17e: {  	_ = 	snop;
	(pc) =	sbr.rel @p1 .LBB2_1-.Ltmp2, $3  }
0x17f: {  	_ =	sdelay $0x1  }
0x180: {  	s1 =	smov.u32 s11;
	[sflag:s2] =	ssyncset.done @!p0 $0x0  }
0x181: {  	s11 =	simm.s32 $0x100;
	[sflag:s2] =	ssyncadd.s32 @!p0 $0xFFFFFB00;
	s24 =	simm.s32 $0x300  }
0x182: {  	_ =	sfence.sel $0x180000  }
0x183: {  	[bflag:$0x0] =	sbarrier.arrive $0xFFFF  }
0x184: {  	_ =	strace $0x90000047  }
0x185: {  	s0 =	stileid.u32;
	[bflag:$0x2] =	sbarrier.arrive $0xFFFF  }
0x186: {  	p0 =	sne.s32 s0, $0x0;
	s0 =	rddreg [dreg:$0x4]  }
0x187: {  	s0 =	sadd.s32 @!p0 $0x100000, s0  }
0x188: {  	[sflag:s0] =	ssyncadd.tile.s32 @!p0 $0x1;
	_ =	shalt  }
.Lfunc_end2:
_tile_overlayer_lowered:
.L_overlay_start_2:
0x189: {  	(tag) =	ssettag $0x2  }
0x18a: {  	s0 =	rddreg [dreg:$0x0];
	s2 =	stileid.u32  }
0x18b: {  	s1 =	rddreg [dreg:$0x1];
	p0 =	sne.s32 s2, $0x0  }
0x18c: {  	s3 =	rddreg [dreg:$0x2];
	[bflag:$0x3] =	sbarrier.arrive $0xFFFF;
	s2 =	simm.s32 @!p0 $0x1C0D  }
0x18d: {  	[timem:s3], [sflag:s2] =	dma.local @!p0 [hbm:s0], s1  }
0x18e: {  	s0 =	simm.s32 @!p0 $0xD  }
0x18f: {  	_ =	swait.ge @!p0 [sflag:s0], s1  }
0x190: {  	s1 =	ssub.s32 @!p0 $0x0, s1;
	[sflag:s0] =	ssyncset.done @!p0 $0x0  }
0x191: {  	[sflag:s0] =	ssyncadd.s32 @!p0 s1  }
0x192: {  	[bflag:$0x3] =	sbarrier.arrive $0xFFFF  }
0x193: {  	_ =	shalt  }

</sc_bundles>
